<compile_context>
chip_gen: v7x
topology: tpu7x:2x2x1
jax: 0.10.2.dev20260603
libtpu: 0.0.44.dev20260713+nightly
codegen_flags: <defaults>
</compile_context>

<pallas_src>
import functools

import jax
import jax.numpy as jnp
from jax import lax
from jax.experimental import pallas as pl
from jax.experimental.pallas import tpu as pltpu
from jax.experimental.pallas import tpu_sc as plsc


def _build_sc_call(num_out, in_features, num_cb, cb_size):
  info = plsc.get_sparse_core_info()
  nc, ns, L = info.num_cores, info.num_subcores, info.num_lanes
  nw = nc * ns
  rows_per_w = num_out // nw
  n_blocks = in_features // (L * 8)
  half_tbl = num_cb * cb_size
  mesh = plsc.VectorSubcoreMesh(core_axis_name="c", subcore_axis_name="s")

  @functools.partial(
      pl.kernel,
      mesh=mesh,
      out_type=jax.ShapeDtypeStruct((num_out, in_features), jnp.float32),
      compiler_params=pltpu.CompilerParams(needs_layout_passes=False),
      scratch_types=[
          pltpu.VMEM((4 * half_tbl,), jnp.int32),
          pltpu.VMEM((in_features,), jnp.int32),
          pltpu.VMEM((in_features,), jnp.int32),
          pltpu.VMEM((in_features,), jnp.float32),
          pltpu.VMEM((in_features,), jnp.float32),
          pltpu.VMEM((rows_per_w,), jnp.float32),
          pltpu.SemaphoreType.DMA,
          pltpu.SemaphoreType.DMA,
          pltpu.SemaphoreType.DMA,
          pltpu.SemaphoreType.DMA,
      ],
  )
  def k(codes_hbm, tbl_hbm, scales_hbm, out_hbm, tbl_v, codes_a, codes_b,
        out_a, out_b, scales_v, sem_ia, sem_ib, sem_oa, sem_ob):
    wid = lax.axis_index("s") * nc + lax.axis_index("c")
    row0 = wid * rows_per_w
    pltpu.sync_copy(tbl_hbm, tbl_v)
    pltpu.sync_copy(scales_hbm.at[pl.ds(row0, rows_per_w)], scales_v)
    lane8 = lax.iota(jnp.int32, L) * 8

    def compute_row(r, cv, ov):
      scale = plsc.load_gather(scales_v, [jnp.full((L,), r, jnp.int32)])

      def blk_body(b, carry2):
        code_idx = lane8 + b * (L * 8)
        accs = [jnp.zeros((2 * L,), jnp.bfloat16) for _ in range(4)]
        for m in range(num_cb):
          cm = plsc.load_gather(cv, [code_idx + m])
          for jp in range(4):
            g = plsc.load_gather(tbl_v, [cm + (jp * half_tbl + m * cb_size)])
            accs[jp] = accs[jp] + plsc.bitcast(g, jnp.bfloat16)
        for jp in range(4):
          a, b2 = plsc.unpack(accs[jp], format=plsc.PackFormat.INTERLEAVED)
          plsc.store_scatter(ov, [code_idx + 2 * jp], a * scale)
          plsc.store_scatter(ov, [code_idx + (2 * jp + 1)], b2 * scale)
        return carry2

      lax.fori_loop(0, n_blocks, blk_body, 0, unroll=False)

    def issue_in(r, cv, sem):
      pltpu.async_copy(codes_hbm.at[row0 + r], cv, sem)

    def wait_in(r, cv, sem):
      pltpu.make_async_copy(codes_hbm.at[row0 + r], cv, sem).wait()

    def issue_out(r, ov, sem):
      pltpu.async_copy(ov, out_hbm.at[row0 + r], sem)

    def wait_out(r, ov, sem):
      pltpu.make_async_copy(ov, out_hbm.at[row0 + r], sem).wait()

    n_pairs = rows_per_w // 2
    issue_in(0, codes_a, sem_ia)
    issue_in(1, codes_b, sem_ib)

    def pair_body(p, carry):
      r0 = 2 * p
      r1 = r0 + 1

      @pl.when(p > 0)
      def _():
        wait_out(r0 - 2, out_a, sem_oa)

      wait_in(r0, codes_a, sem_ia)
      compute_row(r0, codes_a, out_a)
      issue_out(r0, out_a, sem_oa)

      @pl.when(p < n_pairs - 1)
      def _():
        issue_in(r0 + 2, codes_a, sem_ia)

      @pl.when(p > 0)
      def _():
        wait_out(r1 - 2, out_b, sem_ob)

      wait_in(r1, codes_b, sem_ib)
      compute_row(r1, codes_b, out_b)
      issue_out(r1, out_b, sem_ob)

      @pl.when(p < n_pairs - 1)
      def _():
        issue_in(r1 + 2, codes_b, sem_ib)

      return carry

    lax.fori_loop(0, n_pairs, pair_body, 0, unroll=False)
    wait_out(rows_per_w - 2, out_a, sem_oa)
    wait_out(rows_per_w - 1, out_b, sem_ob)

  return k


def kernel(codes, codebooks, scales):
  num_out, num_in_groups, num_cb = codes.shape
  _, cb_size, out_group, in_group = codebooks.shape
  in_features = num_in_groups * in_group

  codes_flat = codes.reshape(num_out, num_in_groups * num_cb)
  scales_flat = scales.reshape(num_out)
  cb = codebooks.reshape(num_cb, cb_size, in_group).astype(jnp.bfloat16)
  cb = cb.reshape(num_cb, cb_size, in_group // 2, 2).transpose(2, 0, 1, 3)
  tbl = lax.bitcast_convert_type(cb, jnp.int32).reshape(-1)

  call = _build_sc_call(num_out, in_features, num_cb, cb_size)
  return call(codes_flat, tbl, scales_flat)

# --- scband reference (transcript-rebuilt; emitter-appended) ---
"""Pipeline reference for scband-quantized-weight-1726576856662 (READ-ONLY COPY).

The authoritative reference and input builder live on the scoring server;
editing this copy changes nothing except your own understanding.
"""

import jax, jax.numpy as jnp
import numpy as np


def setup_inputs(seed: int = 0) -> dict:
    key = jax.random.key(seed)
    k1, k2, k3 = jax.random.split(key, 3)
    num_out_groups, num_in_groups = 4096, 512
    num_codebooks, codebook_size = 8, 256
    out_group_size, in_group_size = 1, 8
    codes = jax.random.randint(k1, (num_out_groups, num_in_groups, num_codebooks), 0, codebook_size, dtype=jnp.int32)
    codebooks = jax.random.normal(k2, (num_codebooks, codebook_size, out_group_size, in_group_size), dtype=jnp.float32)
    scales = jax.random.uniform(k3, (num_out_groups, 1, 1, 1), dtype=jnp.float32) + 0.5
    return {"codes": codes, "codebooks": codebooks, "scales": scales}


def reference(codes, codebooks, scales):
    # Faithful jax port of AQLM QuantizedWeight.forward() / _dequantize_weight():
    # for each (out_group, in_group), sum the selected codebook entries across
    # all codebooks, apply per-out-group scales, and fold groups back into a
    # dense [out_features, in_features] weight matrix.
    num_out_groups, num_in_groups, num_codebooks = codes.shape
    _, codebook_size, out_group_size, in_group_size = codebooks.shape
    # offset codes of codebook m by m*codebook_size so we can do ONE flat gather
    offsets = (jnp.arange(num_codebooks, dtype=codes.dtype) * codebook_size)
    flat_codes = (codes + offsets[None, None, :]).reshape(-1)
    flat_codebooks = codebooks.reshape(num_codebooks * codebook_size, out_group_size, in_group_size)
    gathered = jnp.take(flat_codebooks, flat_codes, axis=0)
    gathered = gathered.reshape(num_out_groups, num_in_groups, num_codebooks, out_group_size, in_group_size)
    recon = gathered.sum(axis=2)  # additive quantization: sum over codebooks
    recon = recon * scales  # per-out-group scales broadcast over [O, I, og, ig]
    weight = recon.transpose(0, 2, 1, 3).reshape(num_out_groups * out_group_size, num_in_groups * in_group_size)
    return weight

if __name__ == "__main__":
    import jax
    _d = setup_inputs()
    print(jax.jit(kernel)(*tuple(_d.values())))

</pallas_src>

<mosaic_0001>
#map = affine_map<(d0, d1) -> (0, 0)>
#map1 = affine_map<(d0, d1) -> (0)>
module attributes {stable_mosaic.version = 14 : i64} {
  func.func @k(%arg0: i32, %arg1: i32, %arg2: memref<4096x4096xi32, #tpu.memory_space<hbm>>, %arg3: memref<8192xi32, #tpu.memory_space<hbm>>, %arg4: memref<4096xf32, #tpu.memory_space<hbm>>, %arg5: memref<4096x4096xf32, #tpu.memory_space<hbm>>, %arg6: memref<8192xi32, #tpu.memory_space<vmem>>, %arg7: memref<4096xi32, #tpu.memory_space<vmem>>, %arg8: memref<4096xi32, #tpu.memory_space<vmem>>, %arg9: memref<4096xf32, #tpu.memory_space<vmem>>, %arg10: memref<4096xf32, #tpu.memory_space<vmem>>, %arg11: memref<128xf32, #tpu.memory_space<vmem>>, %arg12: memref<!tpu.dma_semaphore, #tpu.memory_space<semaphore_mem>>, %arg13: memref<!tpu.dma_semaphore, #tpu.memory_space<semaphore_mem>>, %arg14: memref<!tpu.dma_semaphore, #tpu.memory_space<semaphore_mem>>, %arg15: memref<!tpu.dma_semaphore, #tpu.memory_space<semaphore_mem>>) attributes {dimension_semantics = [#tpu.dimension_semantics<core_parallel>, #tpu.dimension_semantics<subcore_parallel>], iteration_bounds = array<i64: 2, 16>, scalar_prefetch = 0 : i64, scratch_operands = 10 : i64, tpu.core_type = #tpu.core_type<sc_vector_subcore>, window_params = [{transform_indices = #map}, {transform_indices = #map1}, {transform_indices = #map1}, {transform_indices = #map}]} {
    %mul3A = arith.constant 2 : i32
    %mul3A_0 = arith.muli %arg1, %mul3A : i32
    %add3A = arith.addi %mul3A_0, %arg0 : i32
    %mul3A_1 = arith.constant 128 : i32
    %mul3A_2 = arith.muli %add3A, %mul3A_1 : i32
    "tpu.region"() ({
      %run_scoped3A = tpu.sem_alloc : memref<!tpu.dma_semaphore, #tpu.memory_space<semaphore_mem>>
      tpu.enqueue_dma source(%arg3 : memref<8192xi32, #tpu.memory_space<hbm>>) target(%arg6 : memref<8192xi32, #tpu.memory_space<vmem>>) target_semaphore(%run_scoped3A : memref<!tpu.dma_semaphore, #tpu.memory_space<semaphore_mem>>)
      tpu.wait_dma2 semaphore(%run_scoped3A : memref<!tpu.dma_semaphore, #tpu.memory_space<semaphore_mem>>) src(%arg3 : memref<8192xi32, #tpu.memory_space<hbm>>) dst(%arg6 : memref<8192xi32, #tpu.memory_space<vmem>>)
      tpu.yield
    }) : () -> ()
    "tpu.region"() ({
      %run_scoped3A = tpu.sem_alloc : memref<!tpu.dma_semaphore, #tpu.memory_space<semaphore_mem>>
      %dma_start3A_41 = tpu.memref_slice %arg4[%mul3A_2] : memref<4096xf32, #tpu.memory_space<hbm>> -> memref<128xf32, #tpu.memory_space<hbm>>
      %dma_start3A_42 = tpu.memref_slice %arg4[%mul3A_2] : memref<4096xf32, #tpu.memory_space<hbm>> -> memref<128xf32, #tpu.memory_space<hbm>>
      tpu.enqueue_dma source(%dma_start3A_42 : memref<128xf32, #tpu.memory_space<hbm>>) target(%arg11 : memref<128xf32, #tpu.memory_space<vmem>>) target_semaphore(%run_scoped3A : memref<!tpu.dma_semaphore, #tpu.memory_space<semaphore_mem>>)
      %dma_wait3A_43 = tpu.memref_slice %arg4[%mul3A_2] : memref<4096xf32, #tpu.memory_space<hbm>> -> memref<128xf32, #tpu.memory_space<hbm>>
      %dma_wait3A_44 = tpu.memref_slice %arg4[%mul3A_2] : memref<4096xf32, #tpu.memory_space<hbm>> -> memref<128xf32, #tpu.memory_space<hbm>>
      tpu.wait_dma2 semaphore(%run_scoped3A : memref<!tpu.dma_semaphore, #tpu.memory_space<semaphore_mem>>) src(%dma_wait3A_44 : memref<128xf32, #tpu.memory_space<hbm>>) dst(%arg11 : memref<128xf32, #tpu.memory_space<vmem>>)
      tpu.yield
    }) : () -> ()
    %iota3A = tpu.iota {dimensions = array<i32: 0>} : vector<16xi32>
    %mul3A_3 = arith.constant 8 : i32
    %mul3A_4 = vector.broadcast %mul3A_3 : i32 to vector<16xi32>
    %mul3A_5 = arith.muli %iota3A, %mul3A_4 : vector<16xi32>
    %add3A_6 = arith.constant 0 : i32
    %add3A_7 = arith.addi %mul3A_2, %add3A_6 : i32
    %dma_start3A = arith.constant 0 : i32
    %dma_start3A_8 = tpu.memref_slice %arg2[%add3A_7, %dma_start3A] : memref<4096x4096xi32, #tpu.memory_space<hbm>> -> memref<1x4096xi32, #tpu.memory_space<hbm>>
    %dma_start3A_9 = tpu.memref_squeeze %dma_start3A_8 : memref<1x4096xi32, #tpu.memory_space<hbm>> -> memref<4096xi32, #tpu.memory_space<hbm>>
    %dma_start3A_10 = arith.constant 0 : i32
    %dma_start3A_11 = tpu.memref_slice %arg2[%add3A_7, %dma_start3A_10] : memref<4096x4096xi32, #tpu.memory_space<hbm>> -> memref<1x4096xi32, #tpu.memory_space<hbm>>
    %dma_start3A_12 = tpu.memref_squeeze %dma_start3A_11 : memref<1x4096xi32, #tpu.memory_space<hbm>> -> memref<4096xi32, #tpu.memory_space<hbm>>
    tpu.enqueue_dma source(%dma_start3A_12 : memref<4096xi32, #tpu.memory_space<hbm>>) target(%arg7 : memref<4096xi32, #tpu.memory_space<vmem>>) target_semaphore(%arg12 : memref<!tpu.dma_semaphore, #tpu.memory_space<semaphore_mem>>)
    %add3A_13 = arith.constant 1 : i32
    %add3A_14 = arith.addi %mul3A_2, %add3A_13 : i32
    %dma_start3A_15 = arith.constant 0 : i32
    %dma_start3A_16 = tpu.memref_slice %arg2[%add3A_14, %dma_start3A_15] : memref<4096x4096xi32, #tpu.memory_space<hbm>> -> memref<1x4096xi32, #tpu.memory_space<hbm>>
    %dma_start3A_17 = tpu.memref_squeeze %dma_start3A_16 : memref<1x4096xi32, #tpu.memory_space<hbm>> -> memref<4096xi32, #tpu.memory_space<hbm>>
    %dma_start3A_18 = arith.constant 0 : i32
    %dma_start3A_19 = tpu.memref_slice %arg2[%add3A_14, %dma_start3A_18] : memref<4096x4096xi32, #tpu.memory_space<hbm>> -> memref<1x4096xi32, #tpu.memory_space<hbm>>
    %dma_start3A_20 = tpu.memref_squeeze %dma_start3A_19 : memref<1x4096xi32, #tpu.memory_space<hbm>> -> memref<4096xi32, #tpu.memory_space<hbm>>
    tpu.enqueue_dma source(%dma_start3A_20 : memref<4096xi32, #tpu.memory_space<hbm>>) target(%arg8 : memref<4096xi32, #tpu.memory_space<vmem>>) target_semaphore(%arg13 : memref<!tpu.dma_semaphore, #tpu.memory_space<semaphore_mem>>)
    %scan3A = arith.constant 0 : i32
    %scan3A_21 = arith.constant 0 : i32
    %scan3A_22 = arith.constant 64 : i32
    %scan3A_23 = arith.addi %scan3A_21, %scan3A_22 : i32
    %scan3A_24 = arith.constant 1 : i32
    scf.for %scan3A_41 = %scan3A_21 to %scan3A_23 step %scan3A_24  : i32 {
      %mul3A_42 = arith.constant 2 : i32
      %mul3A_43 = arith.muli %mul3A_42, %scan3A_41 : i32
      %add3A_44 = arith.constant 1 : i32
      %add3A_45 = arith.addi %mul3A_43, %add3A_44 : i32
      %gt3A = arith.constant 0 : i32
      %gt3A_46 = arith.cmpi sgt, %scan3A_41, %gt3A : i32
      %convert_element_type3A = arith.extui %gt3A_46 : i1 to i32
      %cond3A = arith.constant 0 : i32
      %cond3A_47 = arith.cmpi ne, %convert_element_type3A, %cond3A : i32
      scf.if %cond3A_47 {
        %sub3A = arith.constant 2 : i32
        %sub3A_104 = arith.subi %mul3A_43, %sub3A : i32
        %add3A_105 = arith.addi %mul3A_2, %sub3A_104 : i32
        %dma_wait3A_106 = arith.constant 0 : i32
        %dma_wait3A_107 = tpu.memref_slice %arg5[%add3A_105, %dma_wait3A_106] : memref<4096x4096xf32, #tpu.memory_space<hbm>> -> memref<1x4096xf32, #tpu.memory_space<hbm>>
        %dma_wait3A_108 = tpu.memref_squeeze %dma_wait3A_107 : memref<1x4096xf32, #tpu.memory_space<hbm>> -> memref<4096xf32, #tpu.memory_space<hbm>>
        %dma_wait3A_109 = arith.constant 0 : i32
        %dma_wait3A_110 = tpu.memref_slice %arg5[%add3A_105, %dma_wait3A_109] : memref<4096x4096xf32, #tpu.memory_space<hbm>> -> memref<1x4096xf32, #tpu.memory_space<hbm>>
        %dma_wait3A_111 = tpu.memref_squeeze %dma_wait3A_110 : memref<1x4096xf32, #tpu.memory_space<hbm>> -> memref<4096xf32, #tpu.memory_space<hbm>>
        tpu.wait_dma2 semaphore(%arg14 : memref<!tpu.dma_semaphore, #tpu.memory_space<semaphore_mem>>) src(%arg9 : memref<4096xf32, #tpu.memory_space<vmem>>) dst(%dma_wait3A_111 : memref<4096xf32, #tpu.memory_space<hbm>>)
      } else {
      }
      %add3A_48 = arith.addi %mul3A_2, %mul3A_43 : i32
      %dma_wait3A_49 = arith.constant 0 : i32
      %dma_wait3A_50 = tpu.memref_slice %arg2[%add3A_48, %dma_wait3A_49] : memref<4096x4096xi32, #tpu.memory_space<hbm>> -> memref<1x4096xi32, #tpu.memory_space<hbm>>
      %dma_wait3A_51 = tpu.memref_squeeze %dma_wait3A_50 : memref<1x4096xi32, #tpu.memory_space<hbm>> -> memref<4096xi32, #tpu.memory_space<hbm>>
      %dma_wait3A_52 = arith.constant 0 : i32
      %dma_wait3A_53 = tpu.memref_slice %arg2[%add3A_48, %dma_wait3A_52] : memref<4096x4096xi32, #tpu.memory_space<hbm>> -> memref<1x4096xi32, #tpu.memory_space<hbm>>
      %dma_wait3A_54 = tpu.memref_squeeze %dma_wait3A_53 : memref<1x4096xi32, #tpu.memory_space<hbm>> -> memref<4096xi32, #tpu.memory_space<hbm>>
      tpu.wait_dma2 semaphore(%arg12 : memref<!tpu.dma_semaphore, #tpu.memory_space<semaphore_mem>>) src(%dma_wait3A_54 : memref<4096xi32, #tpu.memory_space<hbm>>) dst(%arg7 : memref<4096xi32, #tpu.memory_space<vmem>>)
      %broadcast_in_dim3A = vector.broadcast %mul3A_43 : i32 to vector<16xi32>
      %gather3A = tpu.vector_load_idx %arg11[%broadcast_in_dim3A] : memref<128xf32, #tpu.memory_space<vmem>>[vector<16xi32>], vector<16xf32>,
      %scan3A_55 = arith.constant 0 : i32
      %scan3A_56 = arith.constant 0 : i32
      %scan3A_57 = arith.constant 32 : i32
      %scan3A_58 = arith.addi %scan3A_56, %scan3A_57 : i32
      %scan3A_59 = arith.constant 1 : i32
      scf.for %scan3A_104 = %scan3A_56 to %scan3A_58 step %scan3A_59  : i32 {
        %mul3A_105 = arith.constant 128 : i32
        %mul3A_106 = arith.muli %scan3A_104, %mul3A_105 : i32
        %add3A_107 = vector.broadcast %mul3A_106 : i32 to vector<16xi32>
        %add3A_108 = arith.addi %mul3A_5, %add3A_107 : vector<16xi32>
        %broadcast_in_dim3A_109 = arith.constant 0.000000e+00 : bf16
        %broadcast_in_dim3A_110 = vector.broadcast %broadcast_in_dim3A_109 : bf16 to vector<32xbf16>
        %broadcast_in_dim3A_111 = arith.constant 0.000000e+00 : bf16
        %broadcast_in_dim3A_112 = vector.broadcast %broadcast_in_dim3A_111 : bf16 to vector<32xbf16>
        %broadcast_in_dim3A_113 = arith.constant 0.000000e+00 : bf16
        %broadcast_in_dim3A_114 = vector.broadcast %broadcast_in_dim3A_113 : bf16 to vector<32xbf16>
        %broadcast_in_dim3A_115 = arith.constant 0.000000e+00 : bf16
        %broadcast_in_dim3A_116 = vector.broadcast %broadcast_in_dim3A_115 : bf16 to vector<32xbf16>
        %add3A_117 = arith.constant 0 : i32
        %add3A_118 = vector.broadcast %add3A_117 : i32 to vector<16xi32>
        %add3A_119 = arith.addi %add3A_108, %add3A_118 : vector<16xi32>
        %gather3A_120 = tpu.vector_load_idx %arg7[%add3A_119] : memref<4096xi32, #tpu.memory_space<vmem>>[vector<16xi32>], vector<16xi32>,
        %add3A_121 = arith.constant 0 : i32
        %add3A_122 = vector.broadcast %add3A_121 : i32 to vector<16xi32>
        %add3A_123 = arith.addi %gather3A_120, %add3A_122 : vector<16xi32>
        %gather3A_124 = tpu.vector_load_idx %arg6[%add3A_123] : memref<8192xi32, #tpu.memory_space<vmem>>[vector<16xi32>], vector<16xi32>,
        %bitcast3A = vector.bitcast %gather3A_124 : vector<16xi32> to vector<32xbf16>
        %add3A_125 = arith.addf %broadcast_in_dim3A_110, %bitcast3A : vector<32xbf16>
        %add3A_126 = arith.constant 2048 : i32
        %add3A_127 = vector.broadcast %add3A_126 : i32 to vector<16xi32>
        %add3A_128 = arith.addi %gather3A_120, %add3A_127 : vector<16xi32>
        %gather3A_129 = tpu.vector_load_idx %arg6[%add3A_128] : memref<8192xi32, #tpu.memory_space<vmem>>[vector<16xi32>], vector<16xi32>,
        %bitcast3A_130 = vector.bitcast %gather3A_129 : vector<16xi32> to vector<32xbf16>
        %add3A_131 = arith.addf %broadcast_in_dim3A_112, %bitcast3A_130 : vector<32xbf16>
        %add3A_132 = arith.constant 4096 : i32
        %add3A_133 = vector.broadcast %add3A_132 : i32 to vector<16xi32>
        %add3A_134 = arith.addi %gather3A_120, %add3A_133 : vector<16xi32>
        %gather3A_135 = tpu.vector_load_idx %arg6[%add3A_134] : memref<8192xi32, #tpu.memory_space<vmem>>[vector<16xi32>], vector<16xi32>,
        %bitcast3A_136 = vector.bitcast %gather3A_135 : vector<16xi32> to vector<32xbf16>
        %add3A_137 = arith.addf %broadcast_in_dim3A_114, %bitcast3A_136 : vector<32xbf16>
        %add3A_138 = arith.constant 6144 : i32
        %add3A_139 = vector.broadcast %add3A_138 : i32 to vector<16xi32>
        %add3A_140 = arith.addi %gather3A_120, %add3A_139 : vector<16xi32>
        %gather3A_141 = tpu.vector_load_idx %arg6[%add3A_140] : memref<8192xi32, #tpu.memory_space<vmem>>[vector<16xi32>], vector<16xi32>,
        %bitcast3A_142 = vector.bitcast %gather3A_141 : vector<16xi32> to vector<32xbf16>
        %add3A_143 = arith.addf %broadcast_in_dim3A_116, %bitcast3A_142 : vector<32xbf16>
        %add3A_144 = arith.constant 1 : i32
        %add3A_145 = vector.broadcast %add3A_144 : i32 to vector<16xi32>
        %add3A_146 = arith.addi %add3A_108, %add3A_145 : vector<16xi32>
        %gather3A_147 = tpu.vector_load_idx %arg7[%add3A_146] : memref<4096xi32, #tpu.memory_space<vmem>>[vector<16xi32>], vector<16xi32>,
        %add3A_148 = arith.constant 256 : i32
        %add3A_149 = vector.broadcast %add3A_148 : i32 to vector<16xi32>
        %add3A_150 = arith.addi %gather3A_147, %add3A_149 : vector<16xi32>
        %gather3A_151 = tpu.vector_load_idx %arg6[%add3A_150] : memref<8192xi32, #tpu.memory_space<vmem>>[vector<16xi32>], vector<16xi32>,
        %bitcast3A_152 = vector.bitcast %gather3A_151 : vector<16xi32> to vector<32xbf16>
        %add3A_153 = arith.addf %add3A_125, %bitcast3A_152 : vector<32xbf16>
        %add3A_154 = arith.constant 2304 : i32
        %add3A_155 = vector.broadcast %add3A_154 : i32 to vector<16xi32>
        %add3A_156 = arith.addi %gather3A_147, %add3A_155 : vector<16xi32>
        %gather3A_157 = tpu.vector_load_idx %arg6[%add3A_156] : memref<8192xi32, #tpu.memory_space<vmem>>[vector<16xi32>], vector<16xi32>,
        %bitcast3A_158 = vector.bitcast %gather3A_157 : vector<16xi32> to vector<32xbf16>
        %add3A_159 = arith.addf %add3A_131, %bitcast3A_158 : vector<32xbf16>
        %add3A_160 = arith.constant 4352 : i32
        %add3A_161 = vector.broadcast %add3A_160 : i32 to vector<16xi32>
        %add3A_162 = arith.addi %gather3A_147, %add3A_161 : vector<16xi32>
        %gather3A_163 = tpu.vector_load_idx %arg6[%add3A_162] : memref<8192xi32, #tpu.memory_space<vmem>>[vector<16xi32>], vector<16xi32>,
        %bitcast3A_164 = vector.bitcast %gather3A_163 : vector<16xi32> to vector<32xbf16>
        %add3A_165 = arith.addf %add3A_137, %bitcast3A_164 : vector<32xbf16>
        %add3A_166 = arith.constant 6400 : i32
        %add3A_167 = vector.broadcast %add3A_166 : i32 to vector<16xi32>
        %add3A_168 = arith.addi %gather3A_147, %add3A_167 : vector<16xi32>
        %gather3A_169 = tpu.vector_load_idx %arg6[%add3A_168] : memref<8192xi32, #tpu.memory_space<vmem>>[vector<16xi32>], vector<16xi32>,
        %bitcast3A_170 = vector.bitcast %gather3A_169 : vector<16xi32> to vector<32xbf16>
        %add3A_171 = arith.addf %add3A_143, %bitcast3A_170 : vector<32xbf16>
        %add3A_172 = arith.constant 2 : i32
        %add3A_173 = vector.broadcast %add3A_172 : i32 to vector<16xi32>
        %add3A_174 = arith.addi %add3A_108, %add3A_173 : vector<16xi32>
        %gather3A_175 = tpu.vector_load_idx %arg7[%add3A_174] : memref<4096xi32, #tpu.memory_space<vmem>>[vector<16xi32>], vector<16xi32>,
        %add3A_176 = arith.constant 512 : i32
        %add3A_177 = vector.broadcast %add3A_176 : i32 to vector<16xi32>
        %add3A_178 = arith.addi %gather3A_175, %add3A_177 : vector<16xi32>
        %gather3A_179 = tpu.vector_load_idx %arg6[%add3A_178] : memref<8192xi32, #tpu.memory_space<vmem>>[vector<16xi32>], vector<16xi32>,
        %bitcast3A_180 = vector.bitcast %gather3A_179 : vector<16xi32> to vector<32xbf16>
        %add3A_181 = arith.addf %add3A_153, %bitcast3A_180 : vector<32xbf16>
        %add3A_182 = arith.constant 2560 : i32
        %add3A_183 = vector.broadcast %add3A_182 : i32 to vector<16xi32>
        %add3A_184 = arith.addi %gather3A_175, %add3A_183 : vector<16xi32>
        %gather3A_185 = tpu.vector_load_idx %arg6[%add3A_184] : memref<8192xi32, #tpu.memory_space<vmem>>[vector<16xi32>], vector<16xi32>,
        %bitcast3A_186 = vector.bitcast %gather3A_185 : vector<16xi32> to vector<32xbf16>
        %add3A_187 = arith.addf %add3A_159, %bitcast3A_186 : vector<32xbf16>
        %add3A_188 = arith.constant 4608 : i32
        %add3A_189 = vector.broadcast %add3A_188 : i32 to vector<16xi32>
        %add3A_190 = arith.addi %gather3A_175, %add3A_189 : vector<16xi32>
        %gather3A_191 = tpu.vector_load_idx %arg6[%add3A_190] : memref<8192xi32, #tpu.memory_space<vmem>>[vector<16xi32>], vector<16xi32>,
        %bitcast3A_192 = vector.bitcast %gather3A_191 : vector<16xi32> to vector<32xbf16>
        %add3A_193 = arith.addf %add3A_165, %bitcast3A_192 : vector<32xbf16>
        %add3A_194 = arith.constant 6656 : i32
        %add3A_195 = vector.broadcast %add3A_194 : i32 to vector<16xi32>
        %add3A_196 = arith.addi %gather3A_175, %add3A_195 : vector<16xi32>
        %gather3A_197 = tpu.vector_load_idx %arg6[%add3A_196] : memref<8192xi32, #tpu.memory_space<vmem>>[vector<16xi32>], vector<16xi32>,
        %bitcast3A_198 = vector.bitcast %gather3A_197 : vector<16xi32> to vector<32xbf16>
        %add3A_199 = arith.addf %add3A_171, %bitcast3A_198 : vector<32xbf16>
        %add3A_200 = arith.constant 3 : i32
        %add3A_201 = vector.broadcast %add3A_200 : i32 to vector<16xi32>
        %add3A_202 = arith.addi %add3A_108, %add3A_201 : vector<16xi32>
        %gather3A_203 = tpu.vector_load_idx %arg7[%add3A_202] : memref<4096xi32, #tpu.memory_space<vmem>>[vector<16xi32>], vector<16xi32>,
        %add3A_204 = arith.constant 768 : i32
        %add3A_205 = vector.broadcast %add3A_204 : i32 to vector<16xi32>
        %add3A_206 = arith.addi %gather3A_203, %add3A_205 : vector<16xi32>
        %gather3A_207 = tpu.vector_load_idx %arg6[%add3A_206] : memref<8192xi32, #tpu.memory_space<vmem>>[vector<16xi32>], vector<16xi32>,
        %bitcast3A_208 = vector.bitcast %gather3A_207 : vector<16xi32> to vector<32xbf16>
        %add3A_209 = arith.addf %add3A_181, %bitcast3A_208 : vector<32xbf16>
        %add3A_210 = arith.constant 2816 : i32
        %add3A_211 = vector.broadcast %add3A_210 : i32 to vector<16xi32>
        %add3A_212 = arith.addi %gather3A_203, %add3A_211 : vector<16xi32>
        %gather3A_213 = tpu.vector_load_idx %arg6[%add3A_212] : memref<8192xi32, #tpu.memory_space<vmem>>[vector<16xi32>], vector<16xi32>,
        %bitcast3A_214 = vector.bitcast %gather3A_213 : vector<16xi32> to vector<32xbf16>
        %add3A_215 = arith.addf %add3A_187, %bitcast3A_214 : vector<32xbf16>
        %add3A_216 = arith.constant 4864 : i32
        %add3A_217 = vector.broadcast %add3A_216 : i32 to vector<16xi32>
        %add3A_218 = arith.addi %gather3A_203, %add3A_217 : vector<16xi32>
        %gather3A_219 = tpu.vector_load_idx %arg6[%add3A_218] : memref<8192xi32, #tpu.memory_space<vmem>>[vector<16xi32>], vector<16xi32>,
        %bitcast3A_220 = vector.bitcast %gather3A_219 : vector<16xi32> to vector<32xbf16>
        %add3A_221 = arith.addf %add3A_193, %bitcast3A_220 : vector<32xbf16>
        %add3A_222 = arith.constant 6912 : i32
        %add3A_223 = vector.broadcast %add3A_222 : i32 to vector<16xi32>
        %add3A_224 = arith.addi %gather3A_203, %add3A_223 : vector<16xi32>
        %gather3A_225 = tpu.vector_load_idx %arg6[%add3A_224] : memref<8192xi32, #tpu.memory_space<vmem>>[vector<16xi32>], vector<16xi32>,
        %bitcast3A_226 = vector.bitcast %gather3A_225 : vector<16xi32> to vector<32xbf16>
        %add3A_227 = arith.addf %add3A_199, %bitcast3A_226 : vector<32xbf16>
        %add3A_228 = arith.constant 4 : i32
        %add3A_229 = vector.broadcast %add3A_228 : i32 to vector<16xi32>
        %add3A_230 = arith.addi %add3A_108, %add3A_229 : vector<16xi32>
        %gather3A_231 = tpu.vector_load_idx %arg7[%add3A_230] : memref<4096xi32, #tpu.memory_space<vmem>>[vector<16xi32>], vector<16xi32>,
        %add3A_232 = arith.constant 1024 : i32
        %add3A_233 = vector.broadcast %add3A_232 : i32 to vector<16xi32>
        %add3A_234 = arith.addi %gather3A_231, %add3A_233 : vector<16xi32>
        %gather3A_235 = tpu.vector_load_idx %arg6[%add3A_234] : memref<8192xi32, #tpu.memory_space<vmem>>[vector<16xi32>], vector<16xi32>,
        %bitcast3A_236 = vector.bitcast %gather3A_235 : vector<16xi32> to vector<32xbf16>
        %add3A_237 = arith.addf %add3A_209, %bitcast3A_236 : vector<32xbf16>
        %add3A_238 = arith.constant 3072 : i32
        %add3A_239 = vector.broadcast %add3A_238 : i32 to vector<16xi32>
        %add3A_240 = arith.addi %gather3A_231, %add3A_239 : vector<16xi32>
        %gather3A_241 = tpu.vector_load_idx %arg6[%add3A_240] : memref<8192xi32, #tpu.memory_space<vmem>>[vector<16xi32>], vector<16xi32>,
        %bitcast3A_242 = vector.bitcast %gather3A_241 : vector<16xi32> to vector<32xbf16>
        %add3A_243 = arith.addf %add3A_215, %bitcast3A_242 : vector<32xbf16>
        %add3A_244 = arith.constant 5120 : i32
        %add3A_245 = vector.broadcast %add3A_244 : i32 to vector<16xi32>
        %add3A_246 = arith.addi %gather3A_231, %add3A_245 : vector<16xi32>
        %gather3A_247 = tpu.vector_load_idx %arg6[%add3A_246] : memref<8192xi32, #tpu.memory_space<vmem>>[vector<16xi32>], vector<16xi32>,
        %bitcast3A_248 = vector.bitcast %gather3A_247 : vector<16xi32> to vector<32xbf16>
        %add3A_249 = arith.addf %add3A_221, %bitcast3A_248 : vector<32xbf16>
        %add3A_250 = arith.constant 7168 : i32
        %add3A_251 = vector.broadcast %add3A_250 : i32 to vector<16xi32>
        %add3A_252 = arith.addi %gather3A_231, %add3A_251 : vector<16xi32>
        %gather3A_253 = tpu.vector_load_idx %arg6[%add3A_252] : memref<8192xi32, #tpu.memory_space<vmem>>[vector<16xi32>], vector<16xi32>,
        %bitcast3A_254 = vector.bitcast %gather3A_253 : vector<16xi32> to vector<32xbf16>
        %add3A_255 = arith.addf %add3A_227, %bitcast3A_254 : vector<32xbf16>
        %add3A_256 = arith.constant 5 : i32
        %add3A_257 = vector.broadcast %add3A_256 : i32 to vector<16xi32>
        %add3A_258 = arith.addi %add3A_108, %add3A_257 : vector<16xi32>
        %gather3A_259 = tpu.vector_load_idx %arg7[%add3A_258] : memref<4096xi32, #tpu.memory_space<vmem>>[vector<16xi32>], vector<16xi32>,
        %add3A_260 = arith.constant 1280 : i32
        %add3A_261 = vector.broadcast %add3A_260 : i32 to vector<16xi32>
        %add3A_262 = arith.addi %gather3A_259, %add3A_261 : vector<16xi32>
        %gather3A_263 = tpu.vector_load_idx %arg6[%add3A_262] : memref<8192xi32, #tpu.memory_space<vmem>>[vector<16xi32>], vector<16xi32>,
        %bitcast3A_264 = vector.bitcast %gather3A_263 : vector<16xi32> to vector<32xbf16>
        %add3A_265 = arith.addf %add3A_237, %bitcast3A_264 : vector<32xbf16>
        %add3A_266 = arith.constant 3328 : i32
        %add3A_267 = vector.broadcast %add3A_266 : i32 to vector<16xi32>
        %add3A_268 = arith.addi %gather3A_259, %add3A_267 : vector<16xi32>
        %gather3A_269 = tpu.vector_load_idx %arg6[%add3A_268] : memref<8192xi32, #tpu.memory_space<vmem>>[vector<16xi32>], vector<16xi32>,
        %bitcast3A_270 = vector.bitcast %gather3A_269 : vector<16xi32> to vector<32xbf16>
        %add3A_271 = arith.addf %add3A_243, %bitcast3A_270 : vector<32xbf16>
        %add3A_272 = arith.constant 5376 : i32
        %add3A_273 = vector.broadcast %add3A_272 : i32 to vector<16xi32>
        %add3A_274 = arith.addi %gather3A_259, %add3A_273 : vector<16xi32>
        %gather3A_275 = tpu.vector_load_idx %arg6[%add3A_274] : memref<8192xi32, #tpu.memory_space<vmem>>[vector<16xi32>], vector<16xi32>,
        %bitcast3A_276 = vector.bitcast %gather3A_275 : vector<16xi32> to vector<32xbf16>
        %add3A_277 = arith.addf %add3A_249, %bitcast3A_276 : vector<32xbf16>
        %add3A_278 = arith.constant 7424 : i32
        %add3A_279 = vector.broadcast %add3A_278 : i32 to vector<16xi32>
        %add3A_280 = arith.addi %gather3A_259, %add3A_279 : vector<16xi32>
        %gather3A_281 = tpu.vector_load_idx %arg6[%add3A_280] : memref<8192xi32, #tpu.memory_space<vmem>>[vector<16xi32>], vector<16xi32>,
        %bitcast3A_282 = vector.bitcast %gather3A_281 : vector<16xi32> to vector<32xbf16>
        %add3A_283 = arith.addf %add3A_255, %bitcast3A_282 : vector<32xbf16>
        %add3A_284 = arith.constant 6 : i32
        %add3A_285 = vector.broadcast %add3A_284 : i32 to vector<16xi32>
        %add3A_286 = arith.addi %add3A_108, %add3A_285 : vector<16xi32>
        %gather3A_287 = tpu.vector_load_idx %arg7[%add3A_286] : memref<4096xi32, #tpu.memory_space<vmem>>[vector<16xi32>], vector<16xi32>,
        %add3A_288 = arith.constant 1536 : i32
        %add3A_289 = vector.broadcast %add3A_288 : i32 to vector<16xi32>
        %add3A_290 = arith.addi %gather3A_287, %add3A_289 : vector<16xi32>
        %gather3A_291 = tpu.vector_load_idx %arg6[%add3A_290] : memref<8192xi32, #tpu.memory_space<vmem>>[vector<16xi32>], vector<16xi32>,
        %bitcast3A_292 = vector.bitcast %gather3A_291 : vector<16xi32> to vector<32xbf16>
        %add3A_293 = arith.addf %add3A_265, %bitcast3A_292 : vector<32xbf16>
        %add3A_294 = arith.constant 3584 : i32
        %add3A_295 = vector.broadcast %add3A_294 : i32 to vector<16xi32>
        %add3A_296 = arith.addi %gather3A_287, %add3A_295 : vector<16xi32>
        %gather3A_297 = tpu.vector_load_idx %arg6[%add3A_296] : memref<8192xi32, #tpu.memory_space<vmem>>[vector<16xi32>], vector<16xi32>,
        %bitcast3A_298 = vector.bitcast %gather3A_297 : vector<16xi32> to vector<32xbf16>
        %add3A_299 = arith.addf %add3A_271, %bitcast3A_298 : vector<32xbf16>
        %add3A_300 = arith.constant 5632 : i32
        %add3A_301 = vector.broadcast %add3A_300 : i32 to vector<16xi32>
        %add3A_302 = arith.addi %gather3A_287, %add3A_301 : vector<16xi32>
        %gather3A_303 = tpu.vector_load_idx %arg6[%add3A_302] : memref<8192xi32, #tpu.memory_space<vmem>>[vector<16xi32>], vector<16xi32>,
        %bitcast3A_304 = vector.bitcast %gather3A_303 : vector<16xi32> to vector<32xbf16>
        %add3A_305 = arith.addf %add3A_277, %bitcast3A_304 : vector<32xbf16>
        %add3A_306 = arith.constant 7680 : i32
        %add3A_307 = vector.broadcast %add3A_306 : i32 to vector<16xi32>
        %add3A_308 = arith.addi %gather3A_287, %add3A_307 : vector<16xi32>
        %gather3A_309 = tpu.vector_load_idx %arg6[%add3A_308] : memref<8192xi32, #tpu.memory_space<vmem>>[vector<16xi32>], vector<16xi32>,
        %bitcast3A_310 = vector.bitcast %gather3A_309 : vector<16xi32> to vector<32xbf16>
        %add3A_311 = arith.addf %add3A_283, %bitcast3A_310 : vector<32xbf16>
        %add3A_312 = arith.constant 7 : i32
        %add3A_313 = vector.broadcast %add3A_312 : i32 to vector<16xi32>
        %add3A_314 = arith.addi %add3A_108, %add3A_313 : vector<16xi32>
        %gather3A_315 = tpu.vector_load_idx %arg7[%add3A_314] : memref<4096xi32, #tpu.memory_space<vmem>>[vector<16xi32>], vector<16xi32>,
        %add3A_316 = arith.constant 1792 : i32
        %add3A_317 = vector.broadcast %add3A_316 : i32 to vector<16xi32>
        %add3A_318 = arith.addi %gather3A_315, %add3A_317 : vector<16xi32>
        %gather3A_319 = tpu.vector_load_idx %arg6[%add3A_318] : memref<8192xi32, #tpu.memory_space<vmem>>[vector<16xi32>], vector<16xi32>,
        %bitcast3A_320 = vector.bitcast %gather3A_319 : vector<16xi32> to vector<32xbf16>
        %add3A_321 = arith.addf %add3A_293, %bitcast3A_320 : vector<32xbf16>
        %add3A_322 = arith.constant 3840 : i32
        %add3A_323 = vector.broadcast %add3A_322 : i32 to vector<16xi32>
        %add3A_324 = arith.addi %gather3A_315, %add3A_323 : vector<16xi32>
        %gather3A_325 = tpu.vector_load_idx %arg6[%add3A_324] : memref<8192xi32, #tpu.memory_space<vmem>>[vector<16xi32>], vector<16xi32>,
        %bitcast3A_326 = vector.bitcast %gather3A_325 : vector<16xi32> to vector<32xbf16>
        %add3A_327 = arith.addf %add3A_299, %bitcast3A_326 : vector<32xbf16>
        %add3A_328 = arith.constant 5888 : i32
        %add3A_329 = vector.broadcast %add3A_328 : i32 to vector<16xi32>
        %add3A_330 = arith.addi %gather3A_315, %add3A_329 : vector<16xi32>
        %gather3A_331 = tpu.vector_load_idx %arg6[%add3A_330] : memref<8192xi32, #tpu.memory_space<vmem>>[vector<16xi32>], vector<16xi32>,
        %bitcast3A_332 = vector.bitcast %gather3A_331 : vector<16xi32> to vector<32xbf16>
        %add3A_333 = arith.addf %add3A_305, %bitcast3A_332 : vector<32xbf16>
        %add3A_334 = arith.constant 7936 : i32
        %add3A_335 = vector.broadcast %add3A_334 : i32 to vector<16xi32>
        %add3A_336 = arith.addi %gather3A_315, %add3A_335 : vector<16xi32>
        %gather3A_337 = tpu.vector_load_idx %arg6[%add3A_336] : memref<8192xi32, #tpu.memory_space<vmem>>[vector<16xi32>], vector<16xi32>,
        %bitcast3A_338 = vector.bitcast %gather3A_337 : vector<16xi32> to vector<32xbf16>
        %add3A_339 = arith.addf %add3A_311, %bitcast3A_338 : vector<32xbf16>
        %unpack3A = tpu.unpack_subelements %add3A_321, 0 {pack_format = #tpu.pack_format<interleaved>} : vector<32xbf16> -> vector<16xf32>
        %unpack3A_340 = tpu.unpack_subelements %add3A_321, 1 {pack_format = #tpu.pack_format<interleaved>} : vector<32xbf16> -> vector<16xf32>
        %add3A_341 = arith.constant 0 : i32
        %add3A_342 = vector.broadcast %add3A_341 : i32 to vector<16xi32>
        %add3A_343 = arith.addi %add3A_108, %add3A_342 : vector<16xi32>
        %mul3A_344 = arith.mulf %unpack3A, %gather3A : vector<16xf32>
        tpu.vector_store_idx %arg9[%add3A_343], %mul3A_344 : memref<4096xf32, #tpu.memory_space<vmem>>[vector<16xi32>], vector<16xf32>,
        %add3A_345 = arith.constant 1 : i32
        %add3A_346 = vector.broadcast %add3A_345 : i32 to vector<16xi32>
        %add3A_347 = arith.addi %add3A_108, %add3A_346 : vector<16xi32>
        %mul3A_348 = arith.mulf %unpack3A_340, %gather3A : vector<16xf32>
        tpu.vector_store_idx %arg9[%add3A_347], %mul3A_348 : memref<4096xf32, #tpu.memory_space<vmem>>[vector<16xi32>], vector<16xf32>,
        %unpack3A_349 = tpu.unpack_subelements %add3A_327, 0 {pack_format = #tpu.pack_format<interleaved>} : vector<32xbf16> -> vector<16xf32>
        %unpack3A_350 = tpu.unpack_subelements %add3A_327, 1 {pack_format = #tpu.pack_format<interleaved>} : vector<32xbf16> -> vector<16xf32>
        %add3A_351 = arith.constant 2 : i32
        %add3A_352 = vector.broadcast %add3A_351 : i32 to vector<16xi32>
        %add3A_353 = arith.addi %add3A_108, %add3A_352 : vector<16xi32>
        %mul3A_354 = arith.mulf %unpack3A_349, %gather3A : vector<16xf32>
        tpu.vector_store_idx %arg9[%add3A_353], %mul3A_354 : memref<4096xf32, #tpu.memory_space<vmem>>[vector<16xi32>], vector<16xf32>,
        %add3A_355 = arith.constant 3 : i32
        %add3A_356 = vector.broadcast %add3A_355 : i32 to vector<16xi32>
        %add3A_357 = arith.addi %add3A_108, %add3A_356 : vector<16xi32>
        %mul3A_358 = arith.mulf %unpack3A_350, %gather3A : vector<16xf32>
        tpu.vector_store_idx %arg9[%add3A_357], %mul3A_358 : memref<4096xf32, #tpu.memory_space<vmem>>[vector<16xi32>], vector<16xf32>,
        %unpack3A_359 = tpu.unpack_subelements %add3A_333, 0 {pack_format = #tpu.pack_format<interleaved>} : vector<32xbf16> -> vector<16xf32>
        %unpack3A_360 = tpu.unpack_subelements %add3A_333, 1 {pack_format = #tpu.pack_format<interleaved>} : vector<32xbf16> -> vector<16xf32>
        %add3A_361 = arith.constant 4 : i32
        %add3A_362 = vector.broadcast %add3A_361 : i32 to vector<16xi32>
        %add3A_363 = arith.addi %add3A_108, %add3A_362 : vector<16xi32>
        %mul3A_364 = arith.mulf %unpack3A_359, %gather3A : vector<16xf32>
        tpu.vector_store_idx %arg9[%add3A_363], %mul3A_364 : memref<4096xf32, #tpu.memory_space<vmem>>[vector<16xi32>], vector<16xf32>,
        %add3A_365 = arith.constant 5 : i32
        %add3A_366 = vector.broadcast %add3A_365 : i32 to vector<16xi32>
        %add3A_367 = arith.addi %add3A_108, %add3A_366 : vector<16xi32>
        %mul3A_368 = arith.mulf %unpack3A_360, %gather3A : vector<16xf32>
        tpu.vector_store_idx %arg9[%add3A_367], %mul3A_368 : memref<4096xf32, #tpu.memory_space<vmem>>[vector<16xi32>], vector<16xf32>,
        %unpack3A_369 = tpu.unpack_subelements %add3A_339, 0 {pack_format = #tpu.pack_format<interleaved>} : vector<32xbf16> -> vector<16xf32>
        %unpack3A_370 = tpu.unpack_subelements %add3A_339, 1 {pack_format = #tpu.pack_format<interleaved>} : vector<32xbf16> -> vector<16xf32>
        %add3A_371 = arith.constant 6 : i32
        %add3A_372 = vector.broadcast %add3A_371 : i32 to vector<16xi32>
        %add3A_373 = arith.addi %add3A_108, %add3A_372 : vector<16xi32>
        %mul3A_374 = arith.mulf %unpack3A_369, %gather3A : vector<16xf32>
        tpu.vector_store_idx %arg9[%add3A_373], %mul3A_374 : memref<4096xf32, #tpu.memory_space<vmem>>[vector<16xi32>], vector<16xf32>,
        %add3A_375 = arith.constant 7 : i32
        %add3A_376 = vector.broadcast %add3A_375 : i32 to vector<16xi32>
        %add3A_377 = arith.addi %add3A_108, %add3A_376 : vector<16xi32>
        %mul3A_378 = arith.mulf %unpack3A_370, %gather3A : vector<16xf32>
        tpu.vector_store_idx %arg9[%add3A_377], %mul3A_378 : memref<4096xf32, #tpu.memory_space<vmem>>[vector<16xi32>], vector<16xf32>,
      }
      %scan3A_60 = arith.constant 32 : i32
      %add3A_61 = arith.addi %mul3A_2, %mul3A_43 : i32
      %dma_start3A_62 = arith.constant 0 : i32
      %dma_start3A_63 = tpu.memref_slice %arg5[%add3A_61, %dma_start3A_62] : memref<4096x4096xf32, #tpu.memory_space<hbm>> -> memref<1x4096xf32, #tpu.memory_space<hbm>>
      %dma_start3A_64 = tpu.memref_squeeze %dma_start3A_63 : memref<1x4096xf32, #tpu.memory_space<hbm>> -> memref<4096xf32, #tpu.memory_space<hbm>>
      %dma_start3A_65 = arith.constant 0 : i32
      %dma_start3A_66 = tpu.memref_slice %arg5[%add3A_61, %dma_start3A_65] : memref<4096x4096xf32, #tpu.memory_space<hbm>> -> memref<1x4096xf32, #tpu.memory_space<hbm>>
      %dma_start3A_67 = tpu.memref_squeeze %dma_start3A_66 : memref<1x4096xf32, #tpu.memory_space<hbm>> -> memref<4096xf32, #tpu.memory_space<hbm>>
      tpu.enqueue_dma source(%arg9 : memref<4096xf32, #tpu.memory_space<vmem>>) target(%dma_start3A_67 : memref<4096xf32, #tpu.memory_space<hbm>>) target_semaphore(%arg14 : memref<!tpu.dma_semaphore, #tpu.memory_space<semaphore_mem>>)
      %lt3A = arith.constant 63 : i32
      %lt3A_68 = arith.cmpi slt, %scan3A_41, %lt3A : i32
      %convert_element_type3A_69 = arith.extui %lt3A_68 : i1 to i32
      %cond3A_70 = arith.constant 0 : i32
      %cond3A_71 = arith.cmpi ne, %convert_element_type3A_69, %cond3A_70 : i32
      scf.if %cond3A_71 {
        %add3A_104 = arith.constant 2 : i32
        %add3A_105 = arith.addi %mul3A_43, %add3A_104 : i32
        %add3A_106 = arith.addi %mul3A_2, %add3A_105 : i32
        %dma_start3A_107 = arith.constant 0 : i32
        %dma_start3A_108 = tpu.memref_slice %arg2[%add3A_106, %dma_start3A_107] : memref<4096x4096xi32, #tpu.memory_space<hbm>> -> memref<1x4096xi32, #tpu.memory_space<hbm>>
        %dma_start3A_109 = tpu.memref_squeeze %dma_start3A_108 : memref<1x4096xi32, #tpu.memory_space<hbm>> -> memref<4096xi32, #tpu.memory_space<hbm>>
        %dma_start3A_110 = arith.constant 0 : i32
        %dma_start3A_111 = tpu.memref_slice %arg2[%add3A_106, %dma_start3A_110] : memref<4096x4096xi32, #tpu.memory_space<hbm>> -> memref<1x4096xi32, #tpu.memory_space<hbm>>
        %dma_start3A_112 = tpu.memref_squeeze %dma_start3A_111 : memref<1x4096xi32, #tpu.memory_space<hbm>> -> memref<4096xi32, #tpu.memory_space<hbm>>
        tpu.enqueue_dma source(%dma_start3A_112 : memref<4096xi32, #tpu.memory_space<hbm>>) target(%arg7 : memref<4096xi32, #tpu.memory_space<vmem>>) target_semaphore(%arg12 : memref<!tpu.dma_semaphore, #tpu.memory_space<semaphore_mem>>)
      } else {
      }
      %gt3A_72 = arith.constant 0 : i32
      %gt3A_73 = arith.cmpi sgt, %scan3A_41, %gt3A_72 : i32
      %convert_element_type3A_74 = arith.extui %gt3A_73 : i1 to i32
      %cond3A_75 = arith.constant 0 : i32
      %cond3A_76 = arith.cmpi ne, %convert_element_type3A_74, %cond3A_75 : i32
      scf.if %cond3A_76 {
        %sub3A = arith.constant 2 : i32
        %sub3A_104 = arith.subi %add3A_45, %sub3A : i32
        %add3A_105 = arith.addi %mul3A_2, %sub3A_104 : i32
        %dma_wait3A_106 = arith.constant 0 : i32
        %dma_wait3A_107 = tpu.memref_slice %arg5[%add3A_105, %dma_wait3A_106] : memref<4096x4096xf32, #tpu.memory_space<hbm>> -> memref<1x4096xf32, #tpu.memory_space<hbm>>
        %dma_wait3A_108 = tpu.memref_squeeze %dma_wait3A_107 : memref<1x4096xf32, #tpu.memory_space<hbm>> -> memref<4096xf32, #tpu.memory_space<hbm>>
        %dma_wait3A_109 = arith.constant 0 : i32
        %dma_wait3A_110 = tpu.memref_slice %arg5[%add3A_105, %dma_wait3A_109] : memref<4096x4096xf32, #tpu.memory_space<hbm>> -> memref<1x4096xf32, #tpu.memory_space<hbm>>
        %dma_wait3A_111 = tpu.memref_squeeze %dma_wait3A_110 : memref<1x4096xf32, #tpu.memory_space<hbm>> -> memref<4096xf32, #tpu.memory_space<hbm>>
        tpu.wait_dma2 semaphore(%arg15 : memref<!tpu.dma_semaphore, #tpu.memory_space<semaphore_mem>>) src(%arg10 : memref<4096xf32, #tpu.memory_space<vmem>>) dst(%dma_wait3A_111 : memref<4096xf32, #tpu.memory_space<hbm>>)
      } else {
      }
      %add3A_77 = arith.addi %mul3A_2, %add3A_45 : i32
      %dma_wait3A_78 = arith.constant 0 : i32
      %dma_wait3A_79 = tpu.memref_slice %arg2[%add3A_77, %dma_wait3A_78] : memref<4096x4096xi32, #tpu.memory_space<hbm>> -> memref<1x4096xi32, #tpu.memory_space<hbm>>
      %dma_wait3A_80 = tpu.memref_squeeze %dma_wait3A_79 : memref<1x4096xi32, #tpu.memory_space<hbm>> -> memref<4096xi32, #tpu.memory_space<hbm>>
      %dma_wait3A_81 = arith.constant 0 : i32
      %dma_wait3A_82 = tpu.memref_slice %arg2[%add3A_77, %dma_wait3A_81] : memref<4096x4096xi32, #tpu.memory_space<hbm>> -> memref<1x4096xi32, #tpu.memory_space<hbm>>
      %dma_wait3A_83 = tpu.memref_squeeze %dma_wait3A_82 : memref<1x4096xi32, #tpu.memory_space<hbm>> -> memref<4096xi32, #tpu.memory_space<hbm>>
      tpu.wait_dma2 semaphore(%arg13 : memref<!tpu.dma_semaphore, #tpu.memory_space<semaphore_mem>>) src(%dma_wait3A_83 : memref<4096xi32, #tpu.memory_space<hbm>>) dst(%arg8 : memref<4096xi32, #tpu.memory_space<vmem>>)
      %broadcast_in_dim3A_84 = vector.broadcast %add3A_45 : i32 to vector<16xi32>
      %gather3A_85 = tpu.vector_load_idx %arg11[%broadcast_in_dim3A_84] : memref<128xf32, #tpu.memory_space<vmem>>[vector<16xi32>], vector<16xf32>,
      %scan3A_86 = arith.constant 0 : i32
      %scan3A_87 = arith.constant 0 : i32
      %scan3A_88 = arith.constant 32 : i32
      %scan3A_89 = arith.addi %scan3A_87, %scan3A_88 : i32
      %scan3A_90 = arith.constant 1 : i32
      scf.for %scan3A_104 = %scan3A_87 to %scan3A_89 step %scan3A_90  : i32 {
        %mul3A_105 = arith.constant 128 : i32
        %mul3A_106 = arith.muli %scan3A_104, %mul3A_105 : i32
        %add3A_107 = vector.broadcast %mul3A_106 : i32 to vector<16xi32>
        %add3A_108 = arith.addi %mul3A_5, %add3A_107 : vector<16xi32>
        %broadcast_in_dim3A_109 = arith.constant 0.000000e+00 : bf16
        %broadcast_in_dim3A_110 = vector.broadcast %broadcast_in_dim3A_109 : bf16 to vector<32xbf16>
        %broadcast_in_dim3A_111 = arith.constant 0.000000e+00 : bf16
        %broadcast_in_dim3A_112 = vector.broadcast %broadcast_in_dim3A_111 : bf16 to vector<32xbf16>
        %broadcast_in_dim3A_113 = arith.constant 0.000000e+00 : bf16
        %broadcast_in_dim3A_114 = vector.broadcast %broadcast_in_dim3A_113 : bf16 to vector<32xbf16>
        %broadcast_in_dim3A_115 = arith.constant 0.000000e+00 : bf16
        %broadcast_in_dim3A_116 = vector.broadcast %broadcast_in_dim3A_115 : bf16 to vector<32xbf16>
        %add3A_117 = arith.constant 0 : i32
        %add3A_118 = vector.broadcast %add3A_117 : i32 to vector<16xi32>
        %add3A_119 = arith.addi %add3A_108, %add3A_118 : vector<16xi32>
        %gather3A_120 = tpu.vector_load_idx %arg8[%add3A_119] : memref<4096xi32, #tpu.memory_space<vmem>>[vector<16xi32>], vector<16xi32>,
        %add3A_121 = arith.constant 0 : i32
        %add3A_122 = vector.broadcast %add3A_121 : i32 to vector<16xi32>
        %add3A_123 = arith.addi %gather3A_120, %add3A_122 : vector<16xi32>
        %gather3A_124 = tpu.vector_load_idx %arg6[%add3A_123] : memref<8192xi32, #tpu.memory_space<vmem>>[vector<16xi32>], vector<16xi32>,
        %bitcast3A = vector.bitcast %gather3A_124 : vector<16xi32> to vector<32xbf16>
        %add3A_125 = arith.addf %broadcast_in_dim3A_110, %bitcast3A : vector<32xbf16>
        %add3A_126 = arith.constant 2048 : i32
        %add3A_127 = vector.broadcast %add3A_126 : i32 to vector<16xi32>
        %add3A_128 = arith.addi %gather3A_120, %add3A_127 : vector<16xi32>
        %gather3A_129 = tpu.vector_load_idx %arg6[%add3A_128] : memref<8192xi32, #tpu.memory_space<vmem>>[vector<16xi32>], vector<16xi32>,
        %bitcast3A_130 = vector.bitcast %gather3A_129 : vector<16xi32> to vector<32xbf16>
        %add3A_131 = arith.addf %broadcast_in_dim3A_112, %bitcast3A_130 : vector<32xbf16>
        %add3A_132 = arith.constant 4096 : i32
        %add3A_133 = vector.broadcast %add3A_132 : i32 to vector<16xi32>
        %add3A_134 = arith.addi %gather3A_120, %add3A_133 : vector<16xi32>
        %gather3A_135 = tpu.vector_load_idx %arg6[%add3A_134] : memref<8192xi32, #tpu.memory_space<vmem>>[vector<16xi32>], vector<16xi32>,
        %bitcast3A_136 = vector.bitcast %gather3A_135 : vector<16xi32> to vector<32xbf16>
        %add3A_137 = arith.addf %broadcast_in_dim3A_114, %bitcast3A_136 : vector<32xbf16>
        %add3A_138 = arith.constant 6144 : i32
        %add3A_139 = vector.broadcast %add3A_138 : i32 to vector<16xi32>
        %add3A_140 = arith.addi %gather3A_120, %add3A_139 : vector<16xi32>
        %gather3A_141 = tpu.vector_load_idx %arg6[%add3A_140] : memref<8192xi32, #tpu.memory_space<vmem>>[vector<16xi32>], vector<16xi32>,
        %bitcast3A_142 = vector.bitcast %gather3A_141 : vector<16xi32> to vector<32xbf16>
        %add3A_143 = arith.addf %broadcast_in_dim3A_116, %bitcast3A_142 : vector<32xbf16>
        %add3A_144 = arith.constant 1 : i32
        %add3A_145 = vector.broadcast %add3A_144 : i32 to vector<16xi32>
        %add3A_146 = arith.addi %add3A_108, %add3A_145 : vector<16xi32>
        %gather3A_147 = tpu.vector_load_idx %arg8[%add3A_146] : memref<4096xi32, #tpu.memory_space<vmem>>[vector<16xi32>], vector<16xi32>,
        %add3A_148 = arith.constant 256 : i32
        %add3A_149 = vector.broadcast %add3A_148 : i32 to vector<16xi32>
        %add3A_150 = arith.addi %gather3A_147, %add3A_149 : vector<16xi32>
        %gather3A_151 = tpu.vector_load_idx %arg6[%add3A_150] : memref<8192xi32, #tpu.memory_space<vmem>>[vector<16xi32>], vector<16xi32>,
        %bitcast3A_152 = vector.bitcast %gather3A_151 : vector<16xi32> to vector<32xbf16>
        %add3A_153 = arith.addf %add3A_125, %bitcast3A_152 : vector<32xbf16>
        %add3A_154 = arith.constant 2304 : i32
        %add3A_155 = vector.broadcast %add3A_154 : i32 to vector<16xi32>
        %add3A_156 = arith.addi %gather3A_147, %add3A_155 : vector<16xi32>
        %gather3A_157 = tpu.vector_load_idx %arg6[%add3A_156] : memref<8192xi32, #tpu.memory_space<vmem>>[vector<16xi32>], vector<16xi32>,
        %bitcast3A_158 = vector.bitcast %gather3A_157 : vector<16xi32> to vector<32xbf16>
        %add3A_159 = arith.addf %add3A_131, %bitcast3A_158 : vector<32xbf16>
        %add3A_160 = arith.constant 4352 : i32
        %add3A_161 = vector.broadcast %add3A_160 : i32 to vector<16xi32>
        %add3A_162 = arith.addi %gather3A_147, %add3A_161 : vector<16xi32>
        %gather3A_163 = tpu.vector_load_idx %arg6[%add3A_162] : memref<8192xi32, #tpu.memory_space<vmem>>[vector<16xi32>], vector<16xi32>,
        %bitcast3A_164 = vector.bitcast %gather3A_163 : vector<16xi32> to vector<32xbf16>
        %add3A_165 = arith.addf %add3A_137, %bitcast3A_164 : vector<32xbf16>
        %add3A_166 = arith.constant 6400 : i32
        %add3A_167 = vector.broadcast %add3A_166 : i32 to vector<16xi32>
        %add3A_168 = arith.addi %gather3A_147, %add3A_167 : vector<16xi32>
        %gather3A_169 = tpu.vector_load_idx %arg6[%add3A_168] : memref<8192xi32, #tpu.memory_space<vmem>>[vector<16xi32>], vector<16xi32>,
        %bitcast3A_170 = vector.bitcast %gather3A_169 : vector<16xi32> to vector<32xbf16>
        %add3A_171 = arith.addf %add3A_143, %bitcast3A_170 : vector<32xbf16>
        %add3A_172 = arith.constant 2 : i32
        %add3A_173 = vector.broadcast %add3A_172 : i32 to vector<16xi32>
        %add3A_174 = arith.addi %add3A_108, %add3A_173 : vector<16xi32>
        %gather3A_175 = tpu.vector_load_idx %arg8[%add3A_174] : memref<4096xi32, #tpu.memory_space<vmem>>[vector<16xi32>], vector<16xi32>,
        %add3A_176 = arith.constant 512 : i32
        %add3A_177 = vector.broadcast %add3A_176 : i32 to vector<16xi32>
        %add3A_178 = arith.addi %gather3A_175, %add3A_177 : vector<16xi32>
        %gather3A_179 = tpu.vector_load_idx %arg6[%add3A_178] : memref<8192xi32, #tpu.memory_space<vmem>>[vector<16xi32>], vector<16xi32>,
        %bitcast3A_180 = vector.bitcast %gather3A_179 : vector<16xi32> to vector<32xbf16>
        %add3A_181 = arith.addf %add3A_153, %bitcast3A_180 : vector<32xbf16>
        %add3A_182 = arith.constant 2560 : i32
        %add3A_183 = vector.broadcast %add3A_182 : i32 to vector<16xi32>
        %add3A_184 = arith.addi %gather3A_175, %add3A_183 : vector<16xi32>
        %gather3A_185 = tpu.vector_load_idx %arg6[%add3A_184] : memref<8192xi32, #tpu.memory_space<vmem>>[vector<16xi32>], vector<16xi32>,
        %bitcast3A_186 = vector.bitcast %gather3A_185 : vector<16xi32> to vector<32xbf16>
        %add3A_187 = arith.addf %add3A_159, %bitcast3A_186 : vector<32xbf16>
        %add3A_188 = arith.constant 4608 : i32
        %add3A_189 = vector.broadcast %add3A_188 : i32 to vector<16xi32>
        %add3A_190 = arith.addi %gather3A_175, %add3A_189 : vector<16xi32>
        %gather3A_191 = tpu.vector_load_idx %arg6[%add3A_190] : memref<8192xi32, #tpu.memory_space<vmem>>[vector<16xi32>], vector<16xi32>,
        %bitcast3A_192 = vector.bitcast %gather3A_191 : vector<16xi32> to vector<32xbf16>
        %add3A_193 = arith.addf %add3A_165, %bitcast3A_192 : vector<32xbf16>
        %add3A_194 = arith.constant 6656 : i32
        %add3A_195 = vector.broadcast %add3A_194 : i32 to vector<16xi32>
        %add3A_196 = arith.addi %gather3A_175, %add3A_195 : vector<16xi32>
        %gather3A_197 = tpu.vector_load_idx %arg6[%add3A_196] : memref<8192xi32, #tpu.memory_space<vmem>>[vector<16xi32>], vector<16xi32>,
        %bitcast3A_198 = vector.bitcast %gather3A_197 : vector<16xi32> to vector<32xbf16>
        %add3A_199 = arith.addf %add3A_171, %bitcast3A_198 : vector<32xbf16>
        %add3A_200 = arith.constant 3 : i32
        %add3A_201 = vector.broadcast %add3A_200 : i32 to vector<16xi32>
        %add3A_202 = arith.addi %add3A_108, %add3A_201 : vector<16xi32>
        %gather3A_203 = tpu.vector_load_idx %arg8[%add3A_202] : memref<4096xi32, #tpu.memory_space<vmem>>[vector<16xi32>], vector<16xi32>,
        %add3A_204 = arith.constant 768 : i32
        %add3A_205 = vector.broadcast %add3A_204 : i32 to vector<16xi32>
        %add3A_206 = arith.addi %gather3A_203, %add3A_205 : vector<16xi32>
        %gather3A_207 = tpu.vector_load_idx %arg6[%add3A_206] : memref<8192xi32, #tpu.memory_space<vmem>>[vector<16xi32>], vector<16xi32>,
        %bitcast3A_208 = vector.bitcast %gather3A_207 : vector<16xi32> to vector<32xbf16>
        %add3A_209 = arith.addf %add3A_181, %bitcast3A_208 : vector<32xbf16>
        %add3A_210 = arith.constant 2816 : i32
        %add3A_211 = vector.broadcast %add3A_210 : i32 to vector<16xi32>
        %add3A_212 = arith.addi %gather3A_203, %add3A_211 : vector<16xi32>
        %gather3A_213 = tpu.vector_load_idx %arg6[%add3A_212] : memref<8192xi32, #tpu.memory_space<vmem>>[vector<16xi32>], vector<16xi32>,
        %bitcast3A_214 = vector.bitcast %gather3A_213 : vector<16xi32> to vector<32xbf16>
        %add3A_215 = arith.addf %add3A_187, %bitcast3A_214 : vector<32xbf16>
        %add3A_216 = arith.constant 4864 : i32
        %add3A_217 = vector.broadcast %add3A_216 : i32 to vector<16xi32>
        %add3A_218 = arith.addi %gather3A_203, %add3A_217 : vector<16xi32>
        %gather3A_219 = tpu.vector_load_idx %arg6[%add3A_218] : memref<8192xi32, #tpu.memory_space<vmem>>[vector<16xi32>], vector<16xi32>,
        %bitcast3A_220 = vector.bitcast %gather3A_219 : vector<16xi32> to vector<32xbf16>
        %add3A_221 = arith.addf %add3A_193, %bitcast3A_220 : vector<32xbf16>
        %add3A_222 = arith.constant 6912 : i32
        %add3A_223 = vector.broadcast %add3A_222 : i32 to vector<16xi32>
        %add3A_224 = arith.addi %gather3A_203, %add3A_223 : vector<16xi32>
        %gather3A_225 = tpu.vector_load_idx %arg6[%add3A_224] : memref<8192xi32, #tpu.memory_space<vmem>>[vector<16xi32>], vector<16xi32>,
        %bitcast3A_226 = vector.bitcast %gather3A_225 : vector<16xi32> to vector<32xbf16>
        %add3A_227 = arith.addf %add3A_199, %bitcast3A_226 : vector<32xbf16>
        %add3A_228 = arith.constant 4 : i32
        %add3A_229 = vector.broadcast %add3A_228 : i32 to vector<16xi32>
        %add3A_230 = arith.addi %add3A_108, %add3A_229 : vector<16xi32>
        %gather3A_231 = tpu.vector_load_idx %arg8[%add3A_230] : memref<4096xi32, #tpu.memory_space<vmem>>[vector<16xi32>], vector<16xi32>,
        %add3A_232 = arith.constant 1024 : i32
        %add3A_233 = vector.broadcast %add3A_232 : i32 to vector<16xi32>
        %add3A_234 = arith.addi %gather3A_231, %add3A_233 : vector<16xi32>
        %gather3A_235 = tpu.vector_load_idx %arg6[%add3A_234] : memref<8192xi32, #tpu.memory_space<vmem>>[vector<16xi32>], vector<16xi32>,
        %bitcast3A_236 = vector.bitcast %gather3A_235 : vector<16xi32> to vector<32xbf16>
        %add3A_237 = arith.addf %add3A_209, %bitcast3A_236 : vector<32xbf16>
        %add3A_238 = arith.constant 3072 : i32
        %add3A_239 = vector.broadcast %add3A_238 : i32 to vector<16xi32>
        %add3A_240 = arith.addi %gather3A_231, %add3A_239 : vector<16xi32>
        %gather3A_241 = tpu.vector_load_idx %arg6[%add3A_240] : memref<8192xi32, #tpu.memory_space<vmem>>[vector<16xi32>], vector<16xi32>,
        %bitcast3A_242 = vector.bitcast %gather3A_241 : vector<16xi32> to vector<32xbf16>
        %add3A_243 = arith.addf %add3A_215, %bitcast3A_242 : vector<32xbf16>
        %add3A_244 = arith.constant 5120 : i32
        %add3A_245 = vector.broadcast %add3A_244 : i32 to vector<16xi32>
        %add3A_246 = arith.addi %gather3A_231, %add3A_245 : vector<16xi32>
        %gather3A_247 = tpu.vector_load_idx %arg6[%add3A_246] : memref<8192xi32, #tpu.memory_space<vmem>>[vector<16xi32>], vector<16xi32>,
        %bitcast3A_248 = vector.bitcast %gather3A_247 : vector<16xi32> to vector<32xbf16>
        %add3A_249 = arith.addf %add3A_221, %bitcast3A_248 : vector<32xbf16>
        %add3A_250 = arith.constant 7168 : i32
        %add3A_251 = vector.broadcast %add3A_250 : i32 to vector<16xi32>
        %add3A_252 = arith.addi %gather3A_231, %add3A_251 : vector<16xi32>
        %gather3A_253 = tpu.vector_load_idx %arg6[%add3A_252] : memref<8192xi32, #tpu.memory_space<vmem>>[vector<16xi32>], vector<16xi32>,
        %bitcast3A_254 = vector.bitcast %gather3A_253 : vector<16xi32> to vector<32xbf16>
        %add3A_255 = arith.addf %add3A_227, %bitcast3A_254 : vector<32xbf16>
        %add3A_256 = arith.constant 5 : i32
        %add3A_257 = vector.broadcast %add3A_256 : i32 to vector<16xi32>
        %add3A_258 = arith.addi %add3A_108, %add3A_257 : vector<16xi32>
        %gather3A_259 = tpu.vector_load_idx %arg8[%add3A_258] : memref<4096xi32, #tpu.memory_space<vmem>>[vector<16xi32>], vector<16xi32>,
        %add3A_260 = arith.constant 1280 : i32
        %add3A_261 = vector.broadcast %add3A_260 : i32 to vector<16xi32>
        %add3A_262 = arith.addi %gather3A_259, %add3A_261 : vector<16xi32>
        %gather3A_263 = tpu.vector_load_idx %arg6[%add3A_262] : memref<8192xi32, #tpu.memory_space<vmem>>[vector<16xi32>], vector<16xi32>,
        %bitcast3A_264 = vector.bitcast %gather3A_263 : vector<16xi32> to vector<32xbf16>
        %add3A_265 = arith.addf %add3A_237, %bitcast3A_264 : vector<32xbf16>
        %add3A_266 = arith.constant 3328 : i32
        %add3A_267 = vector.broadcast %add3A_266 : i32 to vector<16xi32>
        %add3A_268 = arith.addi %gather3A_259, %add3A_267 : vector<16xi32>
        %gather3A_269 = tpu.vector_load_idx %arg6[%add3A_268] : memref<8192xi32, #tpu.memory_space<vmem>>[vector<16xi32>], vector<16xi32>,
        %bitcast3A_270 = vector.bitcast %gather3A_269 : vector<16xi32> to vector<32xbf16>
        %add3A_271 = arith.addf %add3A_243, %bitcast3A_270 : vector<32xbf16>
        %add3A_272 = arith.constant 5376 : i32
        %add3A_273 = vector.broadcast %add3A_272 : i32 to vector<16xi32>
        %add3A_274 = arith.addi %gather3A_259, %add3A_273 : vector<16xi32>
        %gather3A_275 = tpu.vector_load_idx %arg6[%add3A_274] : memref<8192xi32, #tpu.memory_space<vmem>>[vector<16xi32>], vector<16xi32>,
        %bitcast3A_276 = vector.bitcast %gather3A_275 : vector<16xi32> to vector<32xbf16>
        %add3A_277 = arith.addf %add3A_249, %bitcast3A_276 : vector<32xbf16>
        %add3A_278 = arith.constant 7424 : i32
        %add3A_279 = vector.broadcast %add3A_278 : i32 to vector<16xi32>
        %add3A_280 = arith.addi %gather3A_259, %add3A_279 : vector<16xi32>
        %gather3A_281 = tpu.vector_load_idx %arg6[%add3A_280] : memref<8192xi32, #tpu.memory_space<vmem>>[vector<16xi32>], vector<16xi32>,
        %bitcast3A_282 = vector.bitcast %gather3A_281 : vector<16xi32> to vector<32xbf16>
        %add3A_283 = arith.addf %add3A_255, %bitcast3A_282 : vector<32xbf16>
        %add3A_284 = arith.constant 6 : i32
        %add3A_285 = vector.broadcast %add3A_284 : i32 to vector<16xi32>
        %add3A_286 = arith.addi %add3A_108, %add3A_285 : vector<16xi32>
        %gather3A_287 = tpu.vector_load_idx %arg8[%add3A_286] : memref<4096xi32, #tpu.memory_space<vmem>>[vector<16xi32>], vector<16xi32>,
        %add3A_288 = arith.constant 1536 : i32
        %add3A_289 = vector.broadcast %add3A_288 : i32 to vector<16xi32>
        %add3A_290 = arith.addi %gather3A_287, %add3A_289 : vector<16xi32>
        %gather3A_291 = tpu.vector_load_idx %arg6[%add3A_290] : memref<8192xi32, #tpu.memory_space<vmem>>[vector<16xi32>], vector<16xi32>,
        %bitcast3A_292 = vector.bitcast %gather3A_291 : vector<16xi32> to vector<32xbf16>
        %add3A_293 = arith.addf %add3A_265, %bitcast3A_292 : vector<32xbf16>
        %add3A_294 = arith.constant 3584 : i32
        %add3A_295 = vector.broadcast %add3A_294 : i32 to vector<16xi32>
        %add3A_296 = arith.addi %gather3A_287, %add3A_295 : vector<16xi32>
        %gather3A_297 = tpu.vector_load_idx %arg6[%add3A_296] : memref<8192xi32, #tpu.memory_space<vmem>>[vector<16xi32>], vector<16xi32>,
        %bitcast3A_298 = vector.bitcast %gather3A_297 : vector<16xi32> to vector<32xbf16>
        %add3A_299 = arith.addf %add3A_271, %bitcast3A_298 : vector<32xbf16>
        %add3A_300 = arith.constant 5632 : i32
        %add3A_301 = vector.broadcast %add3A_300 : i32 to vector<16xi32>
        %add3A_302 = arith.addi %gather3A_287, %add3A_301 : vector<16xi32>
        %gather3A_303 = tpu.vector_load_idx %arg6[%add3A_302] : memref<8192xi32, #tpu.memory_space<vmem>>[vector<16xi32>], vector<16xi32>,
        %bitcast3A_304 = vector.bitcast %gather3A_303 : vector<16xi32> to vector<32xbf16>
        %add3A_305 = arith.addf %add3A_277, %bitcast3A_304 : vector<32xbf16>
        %add3A_306 = arith.constant 7680 : i32
        %add3A_307 = vector.broadcast %add3A_306 : i32 to vector<16xi32>
        %add3A_308 = arith.addi %gather3A_287, %add3A_307 : vector<16xi32>
        %gather3A_309 = tpu.vector_load_idx %arg6[%add3A_308] : memref<8192xi32, #tpu.memory_space<vmem>>[vector<16xi32>], vector<16xi32>,
        %bitcast3A_310 = vector.bitcast %gather3A_309 : vector<16xi32> to vector<32xbf16>
        %add3A_311 = arith.addf %add3A_283, %bitcast3A_310 : vector<32xbf16>
        %add3A_312 = arith.constant 7 : i32
        %add3A_313 = vector.broadcast %add3A_312 : i32 to vector<16xi32>
        %add3A_314 = arith.addi %add3A_108, %add3A_313 : vector<16xi32>
        %gather3A_315 = tpu.vector_load_idx %arg8[%add3A_314] : memref<4096xi32, #tpu.memory_space<vmem>>[vector<16xi32>], vector<16xi32>,
        %add3A_316 = arith.constant 1792 : i32
        %add3A_317 = vector.broadcast %add3A_316 : i32 to vector<16xi32>
        %add3A_318 = arith.addi %gather3A_315, %add3A_317 : vector<16xi32>
        %gather3A_319 = tpu.vector_load_idx %arg6[%add3A_318] : memref<8192xi32, #tpu.memory_space<vmem>>[vector<16xi32>], vector<16xi32>,
        %bitcast3A_320 = vector.bitcast %gather3A_319 : vector<16xi32> to vector<32xbf16>
        %add3A_321 = arith.addf %add3A_293, %bitcast3A_320 : vector<32xbf16>
        %add3A_322 = arith.constant 3840 : i32
        %add3A_323 = vector.broadcast %add3A_322 : i32 to vector<16xi32>
        %add3A_324 = arith.addi %gather3A_315, %add3A_323 : vector<16xi32>
        %gather3A_325 = tpu.vector_load_idx %arg6[%add3A_324] : memref<8192xi32, #tpu.memory_space<vmem>>[vector<16xi32>], vector<16xi32>,
        %bitcast3A_326 = vector.bitcast %gather3A_325 : vector<16xi32> to vector<32xbf16>
        %add3A_327 = arith.addf %add3A_299, %bitcast3A_326 : vector<32xbf16>
        %add3A_328 = arith.constant 5888 : i32
        %add3A_329 = vector.broadcast %add3A_328 : i32 to vector<16xi32>
        %add3A_330 = arith.addi %gather3A_315, %add3A_329 : vector<16xi32>
        %gather3A_331 = tpu.vector_load_idx %arg6[%add3A_330] : memref<8192xi32, #tpu.memory_space<vmem>>[vector<16xi32>], vector<16xi32>,
        %bitcast3A_332 = vector.bitcast %gather3A_331 : vector<16xi32> to vector<32xbf16>
        %add3A_333 = arith.addf %add3A_305, %bitcast3A_332 : vector<32xbf16>
        %add3A_334 = arith.constant 7936 : i32
        %add3A_335 = vector.broadcast %add3A_334 : i32 to vector<16xi32>
        %add3A_336 = arith.addi %gather3A_315, %add3A_335 : vector<16xi32>
        %gather3A_337 = tpu.vector_load_idx %arg6[%add3A_336] : memref<8192xi32, #tpu.memory_space<vmem>>[vector<16xi32>], vector<16xi32>,
        %bitcast3A_338 = vector.bitcast %gather3A_337 : vector<16xi32> to vector<32xbf16>
        %add3A_339 = arith.addf %add3A_311, %bitcast3A_338 : vector<32xbf16>
        %unpack3A = tpu.unpack_subelements %add3A_321, 0 {pack_format = #tpu.pack_format<interleaved>} : vector<32xbf16> -> vector<16xf32>
        %unpack3A_340 = tpu.unpack_subelements %add3A_321, 1 {pack_format = #tpu.pack_format<interleaved>} : vector<32xbf16> -> vector<16xf32>
        %add3A_341 = arith.constant 0 : i32
        %add3A_342 = vector.broadcast %add3A_341 : i32 to vector<16xi32>
        %add3A_343 = arith.addi %add3A_108, %add3A_342 : vector<16xi32>
        %mul3A_344 = arith.mulf %unpack3A, %gather3A_85 : vector<16xf32>
        tpu.vector_store_idx %arg10[%add3A_343], %mul3A_344 : memref<4096xf32, #tpu.memory_space<vmem>>[vector<16xi32>], vector<16xf32>,
        %add3A_345 = arith.constant 1 : i32
        %add3A_346 = vector.broadcast %add3A_345 : i32 to vector<16xi32>
        %add3A_347 = arith.addi %add3A_108, %add3A_346 : vector<16xi32>
        %mul3A_348 = arith.mulf %unpack3A_340, %gather3A_85 : vector<16xf32>
        tpu.vector_store_idx %arg10[%add3A_347], %mul3A_348 : memref<4096xf32, #tpu.memory_space<vmem>>[vector<16xi32>], vector<16xf32>,
        %unpack3A_349 = tpu.unpack_subelements %add3A_327, 0 {pack_format = #tpu.pack_format<interleaved>} : vector<32xbf16> -> vector<16xf32>
        %unpack3A_350 = tpu.unpack_subelements %add3A_327, 1 {pack_format = #tpu.pack_format<interleaved>} : vector<32xbf16> -> vector<16xf32>
        %add3A_351 = arith.constant 2 : i32
        %add3A_352 = vector.broadcast %add3A_351 : i32 to vector<16xi32>
        %add3A_353 = arith.addi %add3A_108, %add3A_352 : vector<16xi32>
        %mul3A_354 = arith.mulf %unpack3A_349, %gather3A_85 : vector<16xf32>
        tpu.vector_store_idx %arg10[%add3A_353], %mul3A_354 : memref<4096xf32, #tpu.memory_space<vmem>>[vector<16xi32>], vector<16xf32>,
        %add3A_355 = arith.constant 3 : i32
        %add3A_356 = vector.broadcast %add3A_355 : i32 to vector<16xi32>
        %add3A_357 = arith.addi %add3A_108, %add3A_356 : vector<16xi32>
        %mul3A_358 = arith.mulf %unpack3A_350, %gather3A_85 : vector<16xf32>
        tpu.vector_store_idx %arg10[%add3A_357], %mul3A_358 : memref<4096xf32, #tpu.memory_space<vmem>>[vector<16xi32>], vector<16xf32>,
        %unpack3A_359 = tpu.unpack_subelements %add3A_333, 0 {pack_format = #tpu.pack_format<interleaved>} : vector<32xbf16> -> vector<16xf32>
        %unpack3A_360 = tpu.unpack_subelements %add3A_333, 1 {pack_format = #tpu.pack_format<interleaved>} : vector<32xbf16> -> vector<16xf32>
        %add3A_361 = arith.constant 4 : i32
        %add3A_362 = vector.broadcast %add3A_361 : i32 to vector<16xi32>
        %add3A_363 = arith.addi %add3A_108, %add3A_362 : vector<16xi32>
        %mul3A_364 = arith.mulf %unpack3A_359, %gather3A_85 : vector<16xf32>
        tpu.vector_store_idx %arg10[%add3A_363], %mul3A_364 : memref<4096xf32, #tpu.memory_space<vmem>>[vector<16xi32>], vector<16xf32>,
        %add3A_365 = arith.constant 5 : i32
        %add3A_366 = vector.broadcast %add3A_365 : i32 to vector<16xi32>
        %add3A_367 = arith.addi %add3A_108, %add3A_366 : vector<16xi32>
        %mul3A_368 = arith.mulf %unpack3A_360, %gather3A_85 : vector<16xf32>
        tpu.vector_store_idx %arg10[%add3A_367], %mul3A_368 : memref<4096xf32, #tpu.memory_space<vmem>>[vector<16xi32>], vector<16xf32>,
        %unpack3A_369 = tpu.unpack_subelements %add3A_339, 0 {pack_format = #tpu.pack_format<interleaved>} : vector<32xbf16> -> vector<16xf32>
        %unpack3A_370 = tpu.unpack_subelements %add3A_339, 1 {pack_format = #tpu.pack_format<interleaved>} : vector<32xbf16> -> vector<16xf32>
        %add3A_371 = arith.constant 6 : i32
        %add3A_372 = vector.broadcast %add3A_371 : i32 to vector<16xi32>
        %add3A_373 = arith.addi %add3A_108, %add3A_372 : vector<16xi32>
        %mul3A_374 = arith.mulf %unpack3A_369, %gather3A_85 : vector<16xf32>
        tpu.vector_store_idx %arg10[%add3A_373], %mul3A_374 : memref<4096xf32, #tpu.memory_space<vmem>>[vector<16xi32>], vector<16xf32>,
        %add3A_375 = arith.constant 7 : i32
        %add3A_376 = vector.broadcast %add3A_375 : i32 to vector<16xi32>
        %add3A_377 = arith.addi %add3A_108, %add3A_376 : vector<16xi32>
        %mul3A_378 = arith.mulf %unpack3A_370, %gather3A_85 : vector<16xf32>
        tpu.vector_store_idx %arg10[%add3A_377], %mul3A_378 : memref<4096xf32, #tpu.memory_space<vmem>>[vector<16xi32>], vector<16xf32>,
      }
      %scan3A_91 = arith.constant 32 : i32
      %add3A_92 = arith.addi %mul3A_2, %add3A_45 : i32
      %dma_start3A_93 = arith.constant 0 : i32
      %dma_start3A_94 = tpu.memref_slice %arg5[%add3A_92, %dma_start3A_93] : memref<4096x4096xf32, #tpu.memory_space<hbm>> -> memref<1x4096xf32, #tpu.memory_space<hbm>>
      %dma_start3A_95 = tpu.memref_squeeze %dma_start3A_94 : memref<1x4096xf32, #tpu.memory_space<hbm>> -> memref<4096xf32, #tpu.memory_space<hbm>>
      %dma_start3A_96 = arith.constant 0 : i32
      %dma_start3A_97 = tpu.memref_slice %arg5[%add3A_92, %dma_start3A_96] : memref<4096x4096xf32, #tpu.memory_space<hbm>> -> memref<1x4096xf32, #tpu.memory_space<hbm>>
      %dma_start3A_98 = tpu.memref_squeeze %dma_start3A_97 : memref<1x4096xf32, #tpu.memory_space<hbm>> -> memref<4096xf32, #tpu.memory_space<hbm>>
      tpu.enqueue_dma source(%arg10 : memref<4096xf32, #tpu.memory_space<vmem>>) target(%dma_start3A_98 : memref<4096xf32, #tpu.memory_space<hbm>>) target_semaphore(%arg15 : memref<!tpu.dma_semaphore, #tpu.memory_space<semaphore_mem>>)
      %lt3A_99 = arith.constant 63 : i32
      %lt3A_100 = arith.cmpi slt, %scan3A_41, %lt3A_99 : i32
      %convert_element_type3A_101 = arith.extui %lt3A_100 : i1 to i32
      %cond3A_102 = arith.constant 0 : i32
      %cond3A_103 = arith.cmpi ne, %convert_element_type3A_101, %cond3A_102 : i32
      scf.if %cond3A_103 {
        %add3A_104 = arith.constant 2 : i32
        %add3A_105 = arith.addi %add3A_45, %add3A_104 : i32
        %add3A_106 = arith.addi %mul3A_2, %add3A_105 : i32
        %dma_start3A_107 = arith.constant 0 : i32
        %dma_start3A_108 = tpu.memref_slice %arg2[%add3A_106, %dma_start3A_107] : memref<4096x4096xi32, #tpu.memory_space<hbm>> -> memref<1x4096xi32, #tpu.memory_space<hbm>>
        %dma_start3A_109 = tpu.memref_squeeze %dma_start3A_108 : memref<1x4096xi32, #tpu.memory_space<hbm>> -> memref<4096xi32, #tpu.memory_space<hbm>>
        %dma_start3A_110 = arith.constant 0 : i32
        %dma_start3A_111 = tpu.memref_slice %arg2[%add3A_106, %dma_start3A_110] : memref<4096x4096xi32, #tpu.memory_space<hbm>> -> memref<1x4096xi32, #tpu.memory_space<hbm>>
        %dma_start3A_112 = tpu.memref_squeeze %dma_start3A_111 : memref<1x4096xi32, #tpu.memory_space<hbm>> -> memref<4096xi32, #tpu.memory_space<hbm>>
        tpu.enqueue_dma source(%dma_start3A_112 : memref<4096xi32, #tpu.memory_space<hbm>>) target(%arg8 : memref<4096xi32, #tpu.memory_space<vmem>>) target_semaphore(%arg13 : memref<!tpu.dma_semaphore, #tpu.memory_space<semaphore_mem>>)
      } else {
      }
    }
    %scan3A_25 = arith.constant 64 : i32
    %add3A_26 = arith.constant 126 : i32
    %add3A_27 = arith.addi %mul3A_2, %add3A_26 : i32
    %dma_wait3A = arith.constant 0 : i32
    %dma_wait3A_28 = tpu.memref_slice %arg5[%add3A_27, %dma_wait3A] : memref<4096x4096xf32, #tpu.memory_space<hbm>> -> memref<1x4096xf32, #tpu.memory_space<hbm>>
    %dma_wait3A_29 = tpu.memref_squeeze %dma_wait3A_28 : memref<1x4096xf32, #tpu.memory_space<hbm>> -> memref<4096xf32, #tpu.memory_space<hbm>>
    %dma_wait3A_30 = arith.constant 0 : i32
    %dma_wait3A_31 = tpu.memref_slice %arg5[%add3A_27, %dma_wait3A_30] : memref<4096x4096xf32, #tpu.memory_space<hbm>> -> memref<1x4096xf32, #tpu.memory_space<hbm>>
    %dma_wait3A_32 = tpu.memref_squeeze %dma_wait3A_31 : memref<1x4096xf32, #tpu.memory_space<hbm>> -> memref<4096xf32, #tpu.memory_space<hbm>>
    tpu.wait_dma2 semaphore(%arg14 : memref<!tpu.dma_semaphore, #tpu.memory_space<semaphore_mem>>) src(%arg9 : memref<4096xf32, #tpu.memory_space<vmem>>) dst(%dma_wait3A_32 : memref<4096xf32, #tpu.memory_space<hbm>>)
    %add3A_33 = arith.constant 127 : i32
    %add3A_34 = arith.addi %mul3A_2, %add3A_33 : i32
    %dma_wait3A_35 = arith.constant 0 : i32
    %dma_wait3A_36 = tpu.memref_slice %arg5[%add3A_34, %dma_wait3A_35] : memref<4096x4096xf32, #tpu.memory_space<hbm>> -> memref<1x4096xf32, #tpu.memory_space<hbm>>
    %dma_wait3A_37 = tpu.memref_squeeze %dma_wait3A_36 : memref<1x4096xf32, #tpu.memory_space<hbm>> -> memref<4096xf32, #tpu.memory_space<hbm>>
    %dma_wait3A_38 = arith.constant 0 : i32
    %dma_wait3A_39 = tpu.memref_slice %arg5[%add3A_34, %dma_wait3A_38] : memref<4096x4096xf32, #tpu.memory_space<hbm>> -> memref<1x4096xf32, #tpu.memory_space<hbm>>
    %dma_wait3A_40 = tpu.memref_squeeze %dma_wait3A_39 : memref<1x4096xf32, #tpu.memory_space<hbm>> -> memref<4096xf32, #tpu.memory_space<hbm>>
    tpu.wait_dma2 semaphore(%arg15 : memref<!tpu.dma_semaphore, #tpu.memory_space<semaphore_mem>>) src(%arg10 : memref<4096xf32, #tpu.memory_space<vmem>>) dst(%dma_wait3A_40 : memref<4096xf32, #tpu.memory_space<hbm>>)
    return
  }
}

</mosaic_0001>

<sc_bundles>
// kernel: kernel.3.cloned.1.call-start
scs
__scs_entry_jumppad:
0x0: {  	(pc) =	sbr.rel $0x88, $3  }
0x1: {  	(tag) =	ssettag $0x0;
	lr =	simm.s32 $0x1  }
0x2: {  	[smem:$0x3F9E] =	sst lr;
	_ =	strace $0xD0000000  }
0x3: {  	_ = 	snop  }
0x4: {  	_ = 	snop  }
0x5: {  	_ = 	snop  }
0x6: {  	_ = 	snop  }
0x7: {  	_ = 	snop  }
__scs_overlays_trampoline_lowered:
0x8: {  	[smem:$0x3FAD] =	sst s0  }
0x9: {  	[smem:$0x3FAE] =	sst s1  }
0xa: {  	[smem:$0x3FAF] =	sst s2  }
0xb: {  	[smem:$0x3FB0] =	sst s3  }
0xc: {  	[smem:$0x3FB1] =	sst s4  }
0xd: {  	[smem:$0x3FB2] =	sst s5  }
0xe: {  	[smem:$0x3FB3] =	sst s6  }
0xf: {  	[smem:$0x3FB4] =	sst s7  }
0x10: {  	[smem:$0x3FB5] =	sst s8  }
0x11: {  	[smem:$0x3FB6] =	sst s9;
	s0 =	simm.s32 @!p0 $0x0  }
0x12: {  	s1 =	sld [smem:$0x3F9C];
	s0 =	simm.s32 @p0 $0x1  }
0x13: {  	[smem:$0x3FB7] =	sst s0;
	s0 =	simm.s32 @!p1 $0x0  }
0x14: {  	s2 =	sld [smem:$0x3F9B];
	s0 =	simm.s32 @p1 $0x1  }
0x15: {  	[smem:$0x3FB8] =	sst s0;
	s0 =	simm.s32 @!p2 $0x0  }
0x16: {  	s3 =	sld [smem:$0x3FDB];
	s0 =	simm.s32 @p2 $0x1  }
0x17: {  	s4 =	simm.s32 $0x1BF5;
	[smem:$0x3FBA] =	sst s0  }
0x18: {  	s0 =	sld [smem:$0x3F9D];
	_ =	swait.ge [sflag:s4], $0x0  }
0x19: {  	s7 =	sld [smem:$0x3F9E]  }
0x1a: {  	s8 =	sadd.s32 $0xFFFFE003, lr  }
0x1b: {  	s9 =	sadd.s32 $0xFFFFFEF7, lr;
	s5 =	simm.s32 $0xFFFFFFFF;
	p2 =	slt.u32 s8, $0xFFFFF086  }
0x1c: {  	p1 =	slt.u32 s9, $0xF7A;
	s5 =	simm.s32 @!p2 $0x0  }
0x1d: {  	s5 =	simm.s32 @p1 $0x1;
	p0 =	seq.s32 s7, s2  }
0x1e: {  	s7 =	smul.u32 @!p0 $0xF7A, s2;
	p2 =	seq.s32 @!p0 s5, $0x0  }
0x1f: {  	s9 =	smul.u32 $0xF7A, s1;
	s8 =	simm.s32 @!p0 $0x1BF5;
	p2 =	por !p2, p0  }
0x20: {  	[sflag:s8] =	ssyncset.s32 @!p0 $0xFFFFF086;
	s6 =	sadd.s32 @!p0 s3, s7;
	s7 =	simm.s32 @!p0 $0x108  }
0x21: {  	s3 =	sadd.s32 s3, s9;
	s6 =	sadd.s32 @!p0 $0x88, s6;
	s7 =	simm.s32 @p2 $0x1082  }
0x22: {  	[simem:s7], [sflag:s8] =	dma.local @!p0 [hbm:s6], $0xF7A  }
0x23: {  	s9 =	sor.u32 $0xD0000000, s2;
	s6 =	simm.s32 $0x108;
	_ =	swait.ge @!p0 [sflag:s8], $0x0  }
0x24: {  	s3 =	sadd.s32 $0x88, s3;
	s6 =	simm.s32 @!p1 $0x1082;
	[sflag:s4] =	ssyncset.s32 $0xFFFFF086  }
0x25: {  	[simem:s6], [sflag:s4] =	dma.local [hbm:s3], $0xF7A  }
0x26: {  	[smem:$0x3F9E] =	sst s1;
	(tag) =	ssettag s2;
	_ =	strace s9  }
0x27: {  	s1 =	sld [smem:$0x3FAE]  }
0x28: {  	s2 =	sld [smem:$0x3FAF]  }
0x29: {  	s4 =	sld [smem:$0x3FB1]  }
0x2a: {  	p0 =	seq.s32 s5, $0x0;
	s5 =	sld [smem:$0x3FB2]  }
0x2b: {  	s6 =	sld [smem:$0x3FB3]  }
0x2c: {  	s7 =	sld [smem:$0x3FB4]  }
0x2d: {  	s3 =	simm.s32 $0x108;
	s8 =	sld [smem:$0x3FB5]  }
0x2e: {  	s3 =	simm.s32 @!p0 $0x1082;
	s9 =	sld [smem:$0x3FB6]  }
0x2f: {  	lr =	sadd.s32 s0, s3;
	s0 =	sld [smem:$0x3FAD]  }
0x30: {  	s3 =	sld [smem:$0x3FB0]  }
0x31: {  	[smem:$0x3FB9] =	sst s10  }
0x32: {  	s10 =	sld [smem:$0x3FB7];
	_ =	sdelay $0x3  }
0x33: {  	p0 =	seq.s32 s10, $0x1;
	s10 =	sld [smem:$0x3FB9];
	_ =	sdelay $0x3  }
0x34: {  	[smem:$0x3FB9] =	sst s10  }
0x35: {  	s10 =	sld [smem:$0x3FB8];
	_ =	sdelay $0x3  }
0x36: {  	p1 =	seq.s32 s10, $0x1;
	s10 =	sld [smem:$0x3FB9];
	_ =	sdelay $0x3  }
0x37: {  	[smem:$0x3FB9] =	sst s10  }
0x38: {  	s10 =	sld [smem:$0x3FBA]  }
0x39: {  	_ = 	snop;
	(pc) =	sbr.ind lr, $3  }
0x3a: {  	_ = 	snop  }
0x3b: {  	_ = 	snop  }
0x3c: {  	p2 =	seq.s32 s10, $0x1;
	s10 =	sld [smem:$0x3FB9]  }
0x3d: {  	_ =	shalt  }
0x3e: {  	_ =	shalt  }
0x3f: {  	_ =	shalt  }
0x40: {  	_ =	shalt  }
0x41: {  	_ =	shalt  }
0x42: {  	_ =	shalt  }
0x43: {  	_ =	shalt  }
0x44: {  	_ =	shalt  }
0x45: {  	_ =	shalt  }
0x46: {  	_ =	shalt  }
0x47: {  	_ =	shalt  }
0x48: {  	_ =	shalt  }
0x49: {  	_ =	shalt  }
0x4a: {  	_ =	shalt  }
0x4b: {  	_ =	shalt  }
0x4c: {  	_ =	shalt  }
0x4d: {  	_ =	shalt  }
0x4e: {  	_ =	shalt  }
0x4f: {  	_ =	shalt  }
0x50: {  	_ =	shalt  }
0x51: {  	_ =	shalt  }
0x52: {  	_ =	shalt  }
0x53: {  	_ =	shalt  }
0x54: {  	_ =	shalt  }
0x55: {  	_ =	shalt  }
0x56: {  	_ =	shalt  }
0x57: {  	_ =	shalt  }
0x58: {  	_ =	shalt  }
0x59: {  	_ =	shalt  }
0x5a: {  	_ =	shalt  }
0x5b: {  	_ =	shalt  }
0x5c: {  	_ =	shalt  }
0x5d: {  	_ =	shalt  }
0x5e: {  	_ =	shalt  }
0x5f: {  	_ =	shalt  }
0x60: {  	_ =	shalt  }
0x61: {  	_ =	shalt  }
0x62: {  	_ =	shalt  }
0x63: {  	_ =	shalt  }
0x64: {  	_ =	shalt  }
0x65: {  	_ =	shalt  }
0x66: {  	_ =	shalt  }
0x67: {  	_ =	shalt  }
0x68: {  	_ =	shalt  }
0x69: {  	_ =	shalt  }
0x6a: {  	_ =	shalt  }
0x6b: {  	_ =	shalt  }
0x6c: {  	_ =	shalt  }
0x6d: {  	_ =	shalt  }
0x6e: {  	_ =	shalt  }
0x6f: {  	_ =	shalt  }
0x70: {  	_ =	shalt  }
0x71: {  	_ =	shalt  }
0x72: {  	_ =	shalt  }
0x73: {  	_ =	shalt  }
0x74: {  	_ =	shalt  }
0x75: {  	_ =	shalt  }
0x76: {  	_ =	shalt  }
0x77: {  	_ =	shalt  }
0x78: {  	_ =	shalt  }
0x79: {  	_ =	shalt  }
0x7a: {  	_ =	shalt  }
0x7b: {  	_ =	shalt  }
0x7c: {  	_ =	shalt  }
0x7d: {  	_ =	shalt  }
0x7e: {  	_ =	shalt  }
0x7f: {  	_ =	shalt  }
0x80: {  	_ =	shalt  }
0x81: {  	_ =	shalt  }
0x82: {  	_ =	shalt  }
0x83: {  	_ =	shalt  }
0x84: {  	_ =	shalt  }
0x85: {  	_ =	shalt  }
0x86: {  	_ =	shalt  }
0x87: {  	_ =	shalt  }
.Lfunc_end0:
.L_simem_size_0:
called_computation_lowered:
.L_overlay_start_0:
0x88: {  	s2 =	sld [smem:$0x3FD9]  }
0x89: {  	s3 =	sld [smem:$0x3FFE];
	_ =	sdelay $0x1  }
0x8a: {  	s1 =	srdreg.scid  }
0x8b: {  	s0 =	sand.u32 $0x1, s1  }
0x8c: {  	s17 =	sshll.u32 s0, $0xA;
	s2 =	sadd.s32 s3, s2  }
0x8d: {  	s2 =	sadd.s32 s2, s17  }
0x8e: {  	[smem:$0x3FC5] =	sst s2  }
0x8f: {  	_ = 	snop  }
0x90: {  	s2 =	sld [smem:$0x3FC7]  }
0x91: {  	s18 =	sld [smem:$0x3FD0];
	(tm) =	ssettm $0x1  }
0x92: {  	s4 =	sld [smem:$0x3FFB];
	_ =	sdelay $0x3  }
0x93: {  	_ =	strace s4  }
0x94: {  	s4 =	sld [smem:$0x3FFC];
	_ =	sdelay $0x3  }
0x95: {  	_ =	strace s4  }
0x96: {  	s4 =	sld [smem:$0x3FFD];
	_ =	sdelay $0x3  }
0x97: {  	_ =	strace s4  }
0x98: {  	_ =	strace $0x8FFFFFFF  }
0x99: {  	s19 =	sld [smem:$0x3FDB];
	_ =	sdelay $0x1  }
0x9a: {  	s5 =	simm.s32 $_scs_section_size  }
0x9b: {  	s6 =	simm.s32 $_size__tile_overlayer_lowered;
	s7 =	simm.s32 $_tile_overlayer_lowered  }
0x9c: {  	s22 =	simm.s32 $0x1BFF;
	s21 =	sshll.u32 s7, $0x1;
	s4 =	sadd.s32 s5, s19  }
0x9d: {  	s8 =	simm.s32 $0x0;
	s20 =	sshll.u32 s6, $0x1;
	s6 =	sadd.s32 s21, s4  }
0x9e: {  	[timem:s8], [sflag:s22] =	dma.local [hbm:s6], s20  }
0x9f: {  	_ =	swait.ge [sflag:s22], s20  }
0xa0: {  	s5 =	ssub.s32 $0x0, s20;
	[sflag:s22] =	ssyncset.done $0x0  }
0xa1: {  	[sflag:s22] =	ssyncadd.s32 s5;
	_ =	sdelay $0x1  }
0xa2: {  	s23 =	simm.s32 $0x1B8B  }
0xa3: {  	_ =	swait.ge [sflag:s23], $0x1  }
0xa4: {  	[sflag:s23] =	ssyncset.done $0x0  }
0xa5: {  	s25 =	simm.s32 $0x1B8E;
	s24 =	sld [smem:$0x3FFE];
	[sflag:s23] =	ssyncadd.s32 $0xFFFFFFFF  }
0xa6: {  	s26 =	simm.s32 $execute0_lowered;
	[smem:$0x3FD2] =	sst s25  }
0xa7: {  	s6 =	sshll.u32 s26, $0x1;
	_ =	strace $0x80000046;
	[dreg:$0x1] =	wrdreg $0xFFFFFFFF  }
0xa8: {  	s28 =	simm.s32 $_size_execute0_lowered;
	s4 =	sadd.s32 s4, s6;
	[dreg:$0x0] =	wrdreg $0x0  }
0xa9: {  	s6 =	sshll.u32 s28, $0x1;
	[dreg:$0x2] =	wrdreg s4  }
0xaa: {  	[dreg:$0x3] =	wrdreg s6  }
0xab: {  	[dreg:$0x4] =	wrdreg $0xC0  }
0xac: {  	_ =	task [dreg:s8], $0x5FFFF  }
0xad: {  	[dreg:$0x1] =	wrdreg $0xFFFFFFFF  }
0xae: {  	[dreg:$0x0] =	wrdreg $0x60  }
0xaf: {  	[dreg:$0x2] =	wrdreg s24  }
0xb0: {  	[dreg:$0x3] =	wrdreg s2  }
0xb1: {  	[dreg:$0x4] =	wrdreg s18  }
0xb2: {  	[dreg:$0x5] =	wrdreg $0x9  }
0xb3: {  	_ =	task.clear_ibuf [dreg:s8], $0x6FFFF;
	_ =	strace $0x90000046  }
0xb4: {  	s29 =	simm.s32 $0x9;
	_ =	strace $0x80000048  }
0xb5: {  	_ =	swait.ge [sflag:s29], $0x1  }
0xb6: {  	[sflag:s29] =	ssyncadd.s32 $0xFFFFFFFF  }
0xb7: {  	_ =	strace $0x90000048  }
0xb8: {  	_ =	sfence  }
0xb9: {  	s30 =	sld [smem:$0x0];
	_ =	sdelay $0x2  }
0xba: {  	s31 =	sshll.u32 s1, $0xD;
	s1 =	sshrl.u32 s1, $0x2  }
0xbb: {  	s3 =	sand.u32 $0x4000, s31;
	s1 =	sadd.s32 s1, s30  }
0xbc: {  	s0 =	sor.u32 s3, s0;
	s1 =	sshll.u32 s1, $0x11  }
0xbd: {  	s0 =	sor.u32 s1, s0  }
0xbe: {  	s0 =	sadd.s32 $0x8F2B, s0  }
0xbf: {  	[sflag:s0] =	ssyncadd.remote.s32 $0x1  }
0xc0: {  	_ =	sfence.sel $0xFFFF  }
0xc1: {  	[dreg:$0x0] =	wrdreg $0xFFFFFFFF;
	(pc) =	sbr.abs _section_cstart, $3  }
0xc2: {  	[dreg:$0x1] =	wrdreg $0xFFFFFFFF  }
0xc3: {  	_ =	task.clear_ibuf [dreg:s8], $0x2FFFF;
	_ =	strace $0x9FFFFFFF  }
0xc4: {  	(tm) =	ssettm $0x7FFFFFFF  }
0xc5: {  	_ =	shalt  }
tec
execute0_lowered:
.L_overlay_start_1:
0x0: {  	(tag) =	ssettag $0x1  }
0x1: {  	s1 =	rddreg [dreg:$0x0]  }
0x2: {  	s7 =	rddreg [dreg:$0x1]  }
0x3: {  	s2 =	rddreg [dreg:$0x2]  }
0x4: {  	s4 =	simm.s32 $0x0;
	s5 =	srdreg.scid;
	s3 =	stileid.u32  }
0x5: {  	s12 =	simm.s32 $0x6000;
	s13 =	simm.s32 $0x80;
	s14 =	simm.s32 $0x400  }
0x6: {  	s15 =	simm.s32 $0x2000;
	s16 =	simm.s32 $0x3000;
	s17 =	simm.s32 $0x1  }
0x7: {  	s18 =	simm.s32 $0x4000;
	s19 =	simm.s32 $0x2;
	s20 =	simm.s32 $0x5000  }
0x8: {  	s21 =	simm.s32 $0x3;
	s22 =	simm.s32 $0x4;
	s23 =	simm.s32 $0x0  }
0x9: {  	v0 =	vlaneseq.u32;
	[smem:$0x7FF] =	sst s4;
	s6 =	sand.u32 $0x1, s5;
	s8 =	sshll.u32 s3, $0x8  }
.Ltmp0:
0xa: {  	s5 =	sadd.s32 $0x400, s1;
	v0 =	vmul.u32 $0x8, v0;
	s9 =	sshll.u32 s6, $0x7;
	(pc) =	sbr.rel .LBB2_1-.Ltmp0, $4  }
0xb: {  	_ =	strace $0x80000047;
	s10 =	ssub.s32 $0x2, s6;
	s6 =	sor.u32 s9, s8  }
0xc: {  	v1 =	vimm.bf16 $0.0e+00;
	s31 =	sshrl.u32 s10, $0x1;
	v2 =	vor.u32 $0x1, v0;
	s9 =	sshrl.u32 s6, $0x3;
	s11 =	sshll.u32 s6, $0x9  }
0xd: {  	v3 =	vor.u32 $0x2, v0;
	v4 =	vor.u32 $0x3, v0;
	v5 =	vor.u32 $0x4, v0;
	s10 =	ssub.s32 s10, s31;
	s7 =	sadd.s32 s7, s9;
	s8 =	sadd.s32 s5, s11  }
0xe: {  	v6 =	vor.u32 $0x5, v0;
	v7 =	vor.u32 $0x6, v0;
	v8 =	vor.u32 $0x7, v0;
	s10 =	smax.u32 s10, $0x1;
	s11 =	simm.s32 $0x5;
	s9 =	sadd.s32 $0x10, s8  }
.LBB2_8:
0xf: {  	s23 =	sadd.s32 $0x1, s23  }
0x10: {  	_ =	swait.ge [sflag:s21], $0x1000;
	p0 =	sne.s32 s23, s10  }
.Ltmp1:
0x11: {  	[sflag:s21] =	ssyncset.done $0x0;
	(pc) =	sbr.rel @!p0 .LBB2_9-.Ltmp1, $4  }
0x12: {  	[sflag:s21] =	ssyncadd.s32 $0xFFFFF000  }
0x13: {  	_ =	swait.ge [sflag:s22], $0x1000  }
0x14: {  	[sflag:s22] =	ssyncset.done $0x0  }
0x15: {  	[sflag:s22] =	ssyncadd.s32 $0xFFFFF000  }
.LBB2_1:
0x16: {  	[tilespmem:s4], [sflag:$0x5] =	stream.linear.gather [hbm4b:s1+s4], $0x2000, $0x38;
	[tilespmem:$0x6080] =	vst v63  }
0x17: {  	_ =	swait.ge [sflag:s11], $0x2000  }
0x18: {  	[sflag:s11] =	ssyncset.done $0x0  }
0x19: {  	[sflag:s11] =	ssyncadd.s32 $0xFFFFE000  }
0x1a: {  	[tilespmem:s12], [sflag:$0x5] =	stream.linear.gather [hbm4b:s7+s4], $0x80, $0x38;
	[tilespmem:$0x6080] =	vst v63  }
0x1b: {  	_ =	swait.ge [sflag:s11], $0x80  }
0x1c: {  	[sflag:s11] =	ssyncset.done $0x0  }
0x1d: {  	[sflag:s11] =	ssyncadd.s32 $0xFFFFFF80  }
0x1e: {  	[tilespmem:s15], [sflag:$0x1] =	stream.strided.gather [hbm4b:s8+s13], $0x1000, s14, s13, $0x38;
	[tilespmem:$0x6080] =	vst v63  }
0x1f: {  	s24 =	simm.s32 $0x0  }
0x20: {  	[tilespmem:s16], [sflag:$0x2] =	stream.strided.gather [hbm4b:s9+s13], $0x1000, s14, s13, $0x38;
	[tilespmem:$0x6080] =	vst v63  }
.LBB2_2:
0x21: {  	p0 =	seq.s32 s24, $0x0  }
0x22: {  	s26 =	simm.s32 @!p0 $0x3  }
0x23: {  	s25 =	sshll.u32 s24, $0x1;
	s28 =	simm.s32 $0x0;
	_ =	swait.ge @!p0 [sflag:s26], $0x1000  }
0x24: {  	v9 =	vmov s25;
	v14 =	vor.u32 s28, v0;
	[sflag:s26] =	ssyncset.done @!p0 $0x0  }
0x25: {  	v12 =	vor.u32 s28, v4;
	v9 =	vand.u32 $0xFFFFFFFE, v9;
	[sflag:s26] =	ssyncadd.s32 @!p0 $0xFFFFF000  }
0x26: {  	v11 =	vbroadcast v9, $0x0;
	v9 =	vor.u32 s28, v7;
	_ =	swait.ge [sflag:s17], $0x1000  }
0x27: {  	v15 =	vor.u32 s28, v5;
	[sflag:s17] =	ssyncset.done $0x0  }
0x28: {  	v10 =	vor.u32 s28, v8;
	[sflag:s17] =	ssyncadd.s32 $0xFFFFF000  }
0x29: {  	v17 =	vor.u32 s28, v2;
	v20 =	vld.idx.msk [tilespmem:v14+s15+$0x0], $0xffff  }
0x2a: {  	v13 =	vor.u32 s28, v6;
	v21 =	vld.idx.msk [tilespmem:v12+s15+$0x0], $0xffff  }
0x2b: {  	v16 =	vor.u32 s28, v3;
	v22 =	vld.idx.msk [tilespmem:v9+s15+$0x0], $0xffff  }
0x2c: {  	v23 =	vld.idx.msk [tilespmem:v15+s15+$0x0], $0xffff  }
0x2d: {  	v26 =	vld.idx.msk [tilespmem:v10+s15+$0x0], $0xffff  }
0x2e: {  	v28 =	vld.idx.msk [tilespmem:v17+s15+$0x0], $0xffff;
	v18 =	vadd.s32 $0x800, v20  }
0x2f: {  	v33 =	vld.idx.msk [tilespmem:v13+s15+$0x0], $0xffff;
	v19 =	vadd.s32 $0x1800, v20  }
0x30: {  	v31 =	vld.idx.msk [tilespmem:v16+s15+$0x0], $0xffff;
	v24 =	vadd.s32 $0x1B00, v21  }
0x31: {  	v11 =	vld.idx.msk [tilespmem:v11+s12+$0x0], $0xffff;
	v25 =	vadd.s32 $0xE00, v22  }
0x32: {  	v27 =	vadd.s32 $0xB00, v21;
	v32 =	vld.idx.msk [tilespmem:v20+s4+$0x0], $0xffff  }
0x33: {  	v30 =	vadd.s32 $0xC00, v23;
	v36 =	vld.idx.msk [tilespmem:v18+s4+$0x0], $0xffff  }
0x34: {  	v34 =	vadd.s32 $0x1300, v21;
	v37 =	vld.idx.msk [tilespmem:v19+s4+$0x0], $0xffff  }
0x35: {  	v35 =	vadd.s32 $0x900, v28;
	v18 =	vld.idx.msk [tilespmem:v24+s4+$0x0], $0xffff  }
0x36: {  	v38 =	vadd.s32 $0x1100, v28;
	v19 =	vld.idx.msk [tilespmem:v25+s4+$0x0], $0xffff  }
0x37: {  	v39 =	vadd.s32 $0x100, v28;
	v29 =	vld.idx.msk [tilespmem:v27+s4+$0x0], $0xffff  }
0x38: {  	v40 =	vadd.s32 $0x200, v31;
	v27 =	vld.idx.msk [tilespmem:v30+s4+$0x0], $0xffff  }
0x39: {  	v62 =	vadd.s32 $0xA00, v31;
	v25 =	vld.idx.msk [tilespmem:v34+s4+$0x0], $0xffff  }
0x3a: {  	v41 =	vadd.s32 $0x1A00, v31;
	v42 =	vld.idx.msk [tilespmem:v35+s4+$0x0], $0xffff  }
0x3b: {  	v63 =	vadd.s32 $0x1200, v31;
	v34 =	vld.idx.msk [tilespmem:v38+s4+$0x0], $0xffff  }
0x3c: {  	v20 =	vadd.s32 $0x1000, v20;
	v39 =	vld.idx.msk [tilespmem:v39+s4+$0x0], $0xffff  }
0x3d: {  	v43 =	vadd.s32 $0x300, v21;
	v40 =	vld.idx.msk [tilespmem:v40+s4+$0x0], $0xffff  }
0x3e: {  	v24 =	vadd.s32 $0x400, v23;
	v47 =	vld.idx.msk [tilespmem:v62+s4+$0x0], $0xffff  }
0x3f: {  	v44 =	vadd.s32 $0xD00, v33;
	v35 =	vld.idx.msk [tilespmem:v41+s4+$0x0], $0xffff  }
0x40: {  	v46 =	vadd.s32 $0x1900, v28;
	v21 =	vadd.s32 $0x1600, v22;
	v48 =	vadd.s32 $0x600, v22;
	v38 =	vld.idx.msk [tilespmem:v63+s4+$0x0], $0xffff  }
0x41: {  	v31 =	vadd.s32 $0x700, v26;
	v28 =	vadd.s32 $0x1D00, v33;
	v45 =	vld.idx.msk [tilespmem:v20+s4+$0x0], $0xffff;
	v50 =	vadd.bf16 v1, v32  }
0x42: {  	v41 =	vld.idx.msk [tilespmem:v43+s4+$0x0], $0xffff;
	v20 =	vadd.s32 $0x1E00, v22;
	v49 =	vadd.bf16 v1, v36;
	v36 =	vadd.s32 $0x500, v33  }
0x43: {  	v32 =	vadd.s32 $0xF00, v26;
	v22 =	vadd.s32 $0x1700, v26;
	v30 =	vld.idx.msk [tilespmem:v24+s4+$0x0], $0xffff;
	v50 =	vadd.bf16 v39, v50  }
0x44: {  	v26 =	vadd.s32 $0x1F00, v26;
	v24 =	vadd.s32 $0x1400, v23;
	v39 =	vld.idx.msk [tilespmem:v44+s4+$0x0], $0xffff;
	v49 =	vadd.bf16 v42, v49  }
0x45: {  	v23 =	vadd.s32 $0x1C00, v23;
	v37 =	vadd.bf16 v1, v37;
	v42 =	vld.idx.msk [tilespmem:v46+s4+$0x0], $0xffff;
	v44 =	vadd.bf16 v40, v50  }
0x46: {  	s28 =	simm.s32 $0x80;
	s26 =	sshllo.u32 s24, $0x1;
	v33 =	vadd.s32 $0x1500, v33;
	v40 =	vld.idx.msk [tilespmem:v48+s4+$0x0], $0xffff;
	v43 =	vadd.bf16 v1, v45;
	v45 =	vadd.bf16 v47, v49  }
.LBB2_3:
0x47: {  	p0 =	sne.s32 s28, $0xF80;
	v36 =	vld.idx.msk [tilespmem:v36+s4+$0x0], $0xffff;
	s29 =	smov.u32 s28;
	s28 =	sadd.s32 $0x80, s28  }
0x48: {  	v29 =	vadd.bf16 v29, v45;
	v31 =	vld.idx.msk [tilespmem:v31+s4+$0x0], $0xffff  }
0x49: {  	v41 =	vadd.bf16 v41, v44;
	v32 =	vld.idx.msk [tilespmem:v32+s4+$0x0], $0xffff  }
0x4a: {  	v34 =	vadd.bf16 v34, v43;
	v27 =	vadd.bf16 v27, v29;
	v24 =	vld.idx.msk [tilespmem:v24+s4+$0x0], $0xffff  }
0x4b: {  	v29 =	vadd.bf16 v42, v37;
	v30 =	vadd.bf16 v30, v41;
	v23 =	vld.idx.msk [tilespmem:v23+s4+$0x0], $0xffff  }
0x4c: {  	v34 =	vadd.bf16 v38, v34;
	v27 =	vadd.bf16 v39, v27;
	v33 =	vld.idx.msk [tilespmem:v33+s4+$0x0], $0xffff  }
0x4d: {  	v29 =	vadd.bf16 v35, v29;
	v30 =	vadd.bf16 v36, v30;
	v28 =	vld.idx.msk [tilespmem:v28+s4+$0x0], $0xffff  }
0x4e: {  	v25 =	vadd.bf16 v25, v34;
	v19 =	vadd.bf16 v19, v27;
	v21 =	vld.idx.msk [tilespmem:v21+s4+$0x0], $0xffff  }
0x4f: {  	v18 =	vadd.bf16 v18, v29;
	v27 =	vadd.bf16 v40, v30;
	v20 =	vld.idx.msk [tilespmem:v20+s4+$0x0], $0xffff  }
0x50: {  	v29 =	vor.u32 s29, v7;
	v24 =	vadd.bf16 v24, v25;
	v19 =	vadd.bf16 v32, v19;
	v22 =	vld.idx.msk [tilespmem:v22+s4+$0x0], $0xffff  }
0x51: {  	v18 =	vadd.bf16 v23, v18;
	v23 =	vadd.bf16 v31, v27;
	v25 =	vld.idx.msk [tilespmem:v26+s4+$0x0], $0xffff  }
0x52: {  	v24 =	vadd.bf16 v33, v24;
	v26 =	vunpack.i.u.bf16.f32 v19;
	v19 =	vunpack.i.l.bf16.f32 v19  }
0x53: {  	v30 =	vor.u32 s29, v2;
	v27 =	vor.u32 s29, v0;
	v18 =	vadd.bf16 v28, v18  }
0x54: {  	v21 =	vadd.bf16 v21, v24;
	v24 =	vunpack.i.u.bf16.f32 v23;
	v23 =	vunpack.i.l.bf16.f32 v23  }
0x55: {  	v18 =	vadd.bf16 v20, v18;
	v20 =	vmul.f32 v23, v11  }
0x56: {  	v23 =	vor.u32 s29, v3;
	v21 =	vadd.bf16 v22, v21;
	v22 =	vmul.f32 v24, v11  }
0x57: {  	v19 =	vmul.f32 v19, v11;
	v18 =	vadd.bf16 v25, v18;
	[tilespmem:v14+s18+$0x0] =	vst.idx.msk $0xffff, v20;
	v14 =	vmov v27  }
0x58: {  	v20 =	vmul.f32 v26, v11;
	[tilespmem:v17+s18+$0x0] =	vst.idx.msk $0xffff, v22;
	v22 =	vunpack.i.u.bf16.f32 v21;
	v21 =	vunpack.i.l.bf16.f32 v21;
	v17 =	vmovc v30  }
0x59: {  	v24 =	vor.u32 s29, v8;
	[tilespmem:v16+s18+$0x0] =	vst.idx.msk $0xffff, v19;
	v19 =	vmul.f32 v21, v11;
	v21 =	vunpack.i.l.bf16.f32 v18;
	v16 =	vmovc v23  }
0x5a: {  	v23 =	vor.u32 s29, v6;
	[tilespmem:v12+s18+$0x0] =	vst.idx.msk $0xffff, v20;
	v20 =	vmul.f32 v22, v11  }
0x5b: {  	v12 =	vor.u32 s29, v4;
	[tilespmem:v15+s18+$0x0] =	vst.idx.msk $0xffff, v19;
	v15 =	vunpack.i.u.bf16.f32 v18;
	v18 =	vmul.f32 v21, v11  }
0x5c: {  	[tilespmem:v13+s18+$0x0] =	vst.idx.msk $0xffff, v20;
	v19 =	vmul.f32 v15, v11;
	v13 =	vmov v23  }
0x5d: {  	v15 =	vor.u32 s29, v5;
	[tilespmem:v9+s18+$0x0] =	vst.idx.msk $0xffff, v18;
	v9 =	vmov v29  }
0x5e: {  	[tilespmem:v10+s18+$0x0] =	vst.idx.msk $0xffff, v19;
	v10 =	vmov v24;
	_ =	sdelay $0x1  }
0x5f: {  	v18 =	vld.idx.msk [tilespmem:v27+s15+$0x0], $0xffff  }
0x60: {  	v19 =	vld.idx.msk [tilespmem:v12+s15+$0x0], $0xffff  }
0x61: {  	v26 =	vld.idx.msk [tilespmem:v29+s15+$0x0], $0xffff  }
0x62: {  	v20 =	vld.idx.msk [tilespmem:v15+s15+$0x0], $0xffff;
	_ =	sdelay $0x3  }
0x63: {  	v22 =	vadd.s32 $0x800, v18;
	v39 =	vadd.s32 $0x300, v19  }
0x64: {  	v25 =	vadd.s32 $0x1800, v18;
	v27 =	vadd.s32 $0x1B00, v19;
	v29 =	vadd.s32 $0xE00, v26;
	v30 =	vld.idx.msk [tilespmem:v24+s15+$0x0], $0xffff  }
0x65: {  	v33 =	vadd.s32 $0xB00, v19;
	v34 =	vadd.s32 $0x1300, v19;
	v35 =	vadd.s32 $0x400, v20;
	v28 =	vld.idx.msk [tilespmem:v17+s15+$0x0], $0xffff  }
0x66: {  	v37 =	vadd.s32 $0xC00, v20;
	v24 =	vadd.s32 $0x1400, v20;
	v23 =	vadd.s32 $0x1C00, v20;
	v38 =	vld.idx.msk [tilespmem:v13+s15+$0x0], $0xffff  }
0x67: {  	v21 =	vadd.s32 $0x1600, v26;
	v20 =	vadd.s32 $0x1E00, v26;
	v40 =	vld.idx.msk [tilespmem:v16+s15+$0x0], $0xffff  }
0x68: {  	v41 =	vld.idx.msk [tilespmem:v18+s4+$0x0], $0xffff  }
0x69: {  	v43 =	vadd.s32 $0x1000, v18;
	v42 =	vld.idx.msk [tilespmem:v22+s4+$0x0], $0xffff  }
0x6a: {  	v31 =	vadd.s32 $0x700, v30;
	v32 =	vadd.s32 $0xF00, v30;
	v22 =	vadd.s32 $0x1700, v30;
	v44 =	vld.idx.msk [tilespmem:v25+s4+$0x0], $0xffff  }
0x6b: {  	v45 =	vadd.s32 $0x100, v28;
	v46 =	vadd.s32 $0x900, v28;
	v47 =	vadd.s32 $0x1900, v28;
	v18 =	vld.idx.msk [tilespmem:v27+s4+$0x0], $0xffff  }
0x6c: {  	v48 =	vadd.s32 $0x1100, v28;
	v36 =	vadd.s32 $0x500, v38;
	v28 =	vadd.s32 $0x1D00, v38;
	v19 =	vld.idx.msk [tilespmem:v29+s4+$0x0], $0xffff  }
0x6d: {  	v49 =	vadd.s32 $0x200, v40;
	v50 =	vadd.s32 $0xA00, v40;
	v51 =	vadd.s32 $0x1200, v40;
	v29 =	vld.idx.msk [tilespmem:v33+s4+$0x0], $0xffff  }
0x6e: {  	v52 =	vadd.s32 $0xD00, v38;
	v40 =	vadd.s32 $0x1A00, v40;
	v33 =	vadd.s32 $0x1500, v38;
	v27 =	vld.idx.msk [tilespmem:v37+s4+$0x0], $0xffff  }
0x6f: {  	v53 =	vadd.s32 $0x600, v26;
	v26 =	vadd.s32 $0x1F00, v30;
	v25 =	vld.idx.msk [tilespmem:v34+s4+$0x0], $0xffff  }
0x70: {  	v37 =	vadd.bf16 v1, v44;
	v38 =	vld.idx.msk [tilespmem:v46+s4+$0x0], $0xffff  }
0x71: {  	v30 =	vld.idx.msk [tilespmem:v35+s4+$0x0], $0xffff  }
0x72: {  	v34 =	vld.idx.msk [tilespmem:v48+s4+$0x0], $0xffff  }
0x73: {  	v44 =	vld.idx.msk [tilespmem:v45+s4+$0x0], $0xffff  }
0x74: {  	v35 =	vadd.bf16 v1, v42;
	v45 =	vld.idx.msk [tilespmem:v49+s4+$0x0], $0xffff  }
0x75: {  	v42 =	vld.idx.msk [tilespmem:v43+s4+$0x0], $0xffff  }
0x76: {  	v41 =	vadd.bf16 v1, v41;
	v46 =	vadd.bf16 v38, v35;
	v48 =	vld.idx.msk [tilespmem:v50+s4+$0x0], $0xffff  }
0x77: {  	v35 =	vld.idx.msk [tilespmem:v40+s4+$0x0], $0xffff  }
.Ltmp2:
0x78: {  	v38 =	vld.idx.msk [tilespmem:v51+s4+$0x0], $0xffff;
	(pc) =	sbr.rel @p0 .LBB2_3-.Ltmp2, $4  }
0x79: {  	v40 =	vadd.bf16 v44, v41;
	v41 =	vld.idx.msk [tilespmem:v39+s4+$0x0], $0xffff  }
0x7a: {  	v39 =	vld.idx.msk [tilespmem:v52+s4+$0x0], $0xffff  }
0x7b: {  	v43 =	vadd.bf16 v1, v42;
	v44 =	vadd.bf16 v45, v40;
	v42 =	vld.idx.msk [tilespmem:v47+s4+$0x0], $0xffff  }
0x7c: {  	v45 =	vadd.bf16 v48, v46;
	v40 =	vld.idx.msk [tilespmem:v53+s4+$0x0], $0xffff  }
0x7d: {  	_ =	sdelay $0x3  }
0x7e: {  	v36 =	vld.idx.msk [tilespmem:v36+s4+$0x0], $0xffff  }
0x7f: {  	v31 =	vld.idx.msk [tilespmem:v31+s4+$0x0], $0xffff;
	v34 =	vadd.bf16 v34, v43  }
0x80: {  	v24 =	vld.idx.msk [tilespmem:v24+s4+$0x0], $0xffff;
	v41 =	vadd.bf16 v41, v44;
	v29 =	vadd.bf16 v29, v45  }
0x81: {  	v32 =	vld.idx.msk [tilespmem:v32+s4+$0x0], $0xffff;
	v34 =	vadd.bf16 v38, v34;
	v37 =	vadd.bf16 v42, v37  }
0x82: {  	v30 =	vadd.bf16 v30, v41;
	v27 =	vadd.bf16 v27, v29;
	v29 =	vld.idx.msk [tilespmem:v33+s4+$0x0], $0xffff  }
0x83: {  	v23 =	vld.idx.msk [tilespmem:v23+s4+$0x0], $0xffff;
	v25 =	vadd.bf16 v25, v34  }
0x84: {  	v28 =	vld.idx.msk [tilespmem:v28+s4+$0x0], $0xffff;
	v50 =	vadd.bf16 v35, v37;
	v30 =	vadd.bf16 v36, v30  }
0x85: {  	v21 =	vld.idx.msk [tilespmem:v21+s4+$0x0], $0xffff;
	v27 =	vadd.bf16 v39, v27;
	v24 =	vadd.bf16 v24, v25  }
0x86: {  	v20 =	vld.idx.msk [tilespmem:v20+s4+$0x0], $0xffff;
	v18 =	vadd.bf16 v18, v50;
	v30 =	vadd.bf16 v40, v30  }
0x87: {  	v22 =	vld.idx.msk [tilespmem:v22+s4+$0x0], $0xffff;
	v19 =	vadd.bf16 v19, v27;
	v24 =	vadd.bf16 v29, v24  }
0x88: {  	v18 =	vadd.bf16 v23, v18;
	v23 =	vadd.bf16 v31, v30  }
0x89: {  	v25 =	vld.idx.msk [tilespmem:v26+s4+$0x0], $0xffff;
	v19 =	vadd.bf16 v32, v19  }
0x8a: {  	v21 =	vadd.bf16 v21, v24;
	v18 =	vadd.bf16 v28, v18;
	v24 =	vunpack.i.l.bf16.f32 v23  }
0x8b: {  	v26 =	vunpack.i.l.bf16.f32 v19;
	v23 =	vunpack.i.u.bf16.f32 v23;
	v24 =	vmul.f32 v24, v11  }
0x8c: {  	v18 =	vadd.bf16 v20, v18;
	v20 =	vadd.bf16 v22, v21;
	v21 =	vmul.f32 v23, v11  }
0x8d: {  	v19 =	vunpack.i.u.bf16.f32 v19;
	[tilespmem:v14+s18+$0x0] =	vst.idx.msk $0xffff, v24;
	v14 =	vmul.f32 v26, v11  }
0x8e: {  	v18 =	vadd.bf16 v25, v18;
	[tilespmem:v17+s18+$0x0] =	vst.idx.msk $0xffff, v21;
	v17 =	vmul.f32 v19, v11;
	v19 =	vunpack.i.l.bf16.f32 v20  }
0x8f: {  	v20 =	vunpack.i.u.bf16.f32 v20;
	[tilespmem:v16+s18+$0x0] =	vst.idx.msk $0xffff, v14;
	v14 =	vmul.f32 v19, v11  }
0x90: {  	v16 =	vunpack.i.l.bf16.f32 v18;
	[tilespmem:v12+s18+$0x0] =	vst.idx.msk $0xffff, v17;
	v12 =	vmul.f32 v20, v11  }
0x91: {  	s28 =	sadd.s32 s6, s25;
	s29 =	sshll.u32 s24, $0x5;
	[tilespmem:v15+s18+$0x0] =	vst.idx.msk $0xffff, v14;
	v14 =	vunpack.i.u.bf16.f32 v18;
	v15 =	vmul.f32 v16, v11  }
0x92: {  	s28 =	sshll.u32 s28, $0x9;
	s29 =	sand.u32 $0x60, s29;
	[tilespmem:v13+s18+$0x0] =	vst.idx.msk $0xffff, v12;
	v11 =	vmul.f32 v14, v11  }
0x93: {  	s28 =	sand.u32 $0x1FF000, s28;
	s29 =	sadd.s32 s2, s29;
	[tilespmem:v9+s18+$0x0] =	vst.idx.msk $0xffff, v15  }
0x94: {  	p0 =	seq.s32 s24, $0x3F;
	s29 =	sadd.s32 s28, s29;
	[tilespmem:v10+s18+$0x0] =	vst.idx.msk $0xffff, v11  }
0x95: {  	[hbm4b:s29+s13] =	stream.strided.scatter [tilespmem:s18], [sflag:$0x3], $0x1000, s14, s13, $0x38;
	[tilespmem:$0x6080] =	vst v63  }
0x96: {  	s29 =	sadd.s32 @!p0 $0x2, s25  }
0x97: {  	p1 =	seq.s32 @!p0 s24, $0x0;
	s30 =	sadd.s32 @!p0 s6, s29;
	s29 =	sshll.u32 @!p0 s29, $0x4  }
0x98: {  	s31 =	simm.s32 @!p0 $0x400;
	s30 =	sshll.u32 @!p0 s30, $0x9;
	s29 =	sand.u32 @!p0 $0x60, s29  }
0x99: {  	s0 =	simm.s32 @!p0 $0x2000;
	s30 =	sand.u32 @!p0 $0x3FF000, s30;
	s29 =	sadd.s32 @!p0 s5, s29  }
0x9a: {  	p1 =	por p0, !p1;
	s29 =	sadd.s32 @!p0 s30, s29;
	s30 =	simm.s32 @!p0 $0x80  }
0x9b: {  	[tilespmem:s0], [sflag:$0x1] =	stream.strided.gather @!p0 [hbm4b:s29+s30], $0x1000, s31, s30, $0x38;
	[tilespmem:$0x6080] =	vst v63  }
0x9c: {  	s31 =	simm.s32 $0x0;
	_ =	swait.ge @p1 [sflag:s22], $0x1000  }
0x9d: {  	v14 =	vor.u32 s31, v0;
	[sflag:s22] =	ssyncset.done @p1 $0x0  }
0x9e: {  	v11 =	vmov s26;
	[sflag:s22] =	ssyncadd.s32 @p1 $0xFFFFF000  }
0x9f: {  	v12 =	vor.u32 s31, v4;
	_ =	swait.ge [sflag:s19], $0x1000  }
0xa0: {  	v9 =	vor.u32 s31, v7;
	[sflag:s19] =	ssyncset.done $0x0  }
0xa1: {  	v15 =	vor.u32 s31, v5;
	[sflag:s19] =	ssyncadd.s32 $0xFFFFF000  }
0xa2: {  	v10 =	vor.u32 s31, v8;
	v20 =	vld.idx.msk [tilespmem:v14+s16+$0x0], $0xffff  }
0xa3: {  	v17 =	vor.u32 s31, v2;
	v11 =	vld.idx.msk [tilespmem:v11+s12+$0x0], $0xffff  }
0xa4: {  	v13 =	vor.u32 s31, v6;
	v21 =	vld.idx.msk [tilespmem:v12+s16+$0x0], $0xffff  }
0xa5: {  	v16 =	vor.u32 s31, v3;
	v22 =	vld.idx.msk [tilespmem:v9+s16+$0x0], $0xffff  }
0xa6: {  	v23 =	vld.idx.msk [tilespmem:v15+s16+$0x0], $0xffff  }
0xa7: {  	v26 =	vld.idx.msk [tilespmem:v10+s16+$0x0], $0xffff;
	v18 =	vadd.s32 $0x800, v20  }
0xa8: {  	v28 =	vld.idx.msk [tilespmem:v17+s16+$0x0], $0xffff;
	v19 =	vadd.s32 $0x1800, v20  }
0xa9: {  	v33 =	vld.idx.msk [tilespmem:v13+s16+$0x0], $0xffff;
	v24 =	vadd.s32 $0x1B00, v21  }
0xaa: {  	v31 =	vld.idx.msk [tilespmem:v16+s16+$0x0], $0xffff;
	v25 =	vadd.s32 $0xE00, v22  }
0xab: {  	v27 =	vadd.s32 $0xB00, v21;
	v32 =	vld.idx.msk [tilespmem:v20+s4+$0x0], $0xffff  }
0xac: {  	v30 =	vadd.s32 $0xC00, v23;
	v36 =	vld.idx.msk [tilespmem:v18+s4+$0x0], $0xffff  }
0xad: {  	v51 =	vadd.s32 $0x1300, v21;
	v52 =	vld.idx.msk [tilespmem:v19+s4+$0x0], $0xffff  }
0xae: {  	v53 =	vadd.s32 $0x900, v28;
	v18 =	vld.idx.msk [tilespmem:v24+s4+$0x0], $0xffff  }
0xaf: {  	v54 =	vadd.s32 $0x1100, v28;
	v19 =	vld.idx.msk [tilespmem:v25+s4+$0x0], $0xffff  }
0xb0: {  	v55 =	vadd.s32 $0x100, v28;
	v29 =	vld.idx.msk [tilespmem:v27+s4+$0x0], $0xffff  }
0xb1: {  	v56 =	vadd.s32 $0x200, v31;
	v27 =	vld.idx.msk [tilespmem:v30+s4+$0x0], $0xffff  }
0xb2: {  	v58 =	vadd.s32 $0xA00, v31;
	v25 =	vld.idx.msk [tilespmem:v51+s4+$0x0], $0xffff  }
0xb3: {  	v59 =	vadd.s32 $0x1A00, v31;
	v57 =	vld.idx.msk [tilespmem:v53+s4+$0x0], $0xffff  }
0xb4: {  	v60 =	vadd.s32 $0x1200, v31;
	v34 =	vld.idx.msk [tilespmem:v54+s4+$0x0], $0xffff  }
0xb5: {  	v20 =	vadd.s32 $0x1000, v20;
	v39 =	vld.idx.msk [tilespmem:v55+s4+$0x0], $0xffff  }
0xb6: {  	v61 =	vadd.s32 $0x300, v21;
	v40 =	vld.idx.msk [tilespmem:v56+s4+$0x0], $0xffff  }
0xb7: {  	v46 =	vadd.s32 $0x1900, v28;
	v47 =	vld.idx.msk [tilespmem:v58+s4+$0x0], $0xffff  }
0xb8: {  	v24 =	vadd.s32 $0x400, v23;
	v35 =	vld.idx.msk [tilespmem:v59+s4+$0x0], $0xffff  }
0xb9: {  	v62 =	vadd.s32 $0xD00, v33;
	v21 =	vadd.s32 $0x1600, v22;
	v48 =	vadd.s32 $0x600, v22;
	v38 =	vld.idx.msk [tilespmem:v60+s4+$0x0], $0xffff  }
0xba: {  	v31 =	vadd.s32 $0x700, v26;
	v28 =	vadd.s32 $0x1D00, v33;
	v63 =	vld.idx.msk [tilespmem:v20+s4+$0x0], $0xffff;
	v50 =	vadd.bf16 v1, v32  }
0xbb: {  	v41 =	vld.idx.msk [tilespmem:v61+s4+$0x0], $0xffff;
	v20 =	vadd.s32 $0x1E00, v22;
	v49 =	vadd.bf16 v1, v36;
	v36 =	vadd.s32 $0x500, v33  }
0xbc: {  	v42 =	vld.idx.msk [tilespmem:v46+s4+$0x0], $0xffff;
	v32 =	vadd.s32 $0xF00, v26;
	v22 =	vadd.s32 $0x1700, v26;
	v50 =	vadd.bf16 v39, v50  }
0xbd: {  	v26 =	vadd.s32 $0x1F00, v26;
	v30 =	vld.idx.msk [tilespmem:v24+s4+$0x0], $0xffff;
	v24 =	vadd.s32 $0x1400, v23;
	v49 =	vadd.bf16 v57, v49  }
0xbe: {  	v23 =	vadd.s32 $0x1C00, v23;
	v39 =	vld.idx.msk [tilespmem:v62+s4+$0x0], $0xffff;
	v37 =	vadd.bf16 v1, v52;
	v44 =	vadd.bf16 v40, v50  }
0xbf: {  	s29 =	simm.s32 $0x80;
	v33 =	vadd.s32 $0x1500, v33;
	v40 =	vld.idx.msk [tilespmem:v48+s4+$0x0], $0xffff;
	v43 =	vadd.bf16 v1, v63;
	v45 =	vadd.bf16 v47, v49  }
.LBB2_5:
0xc0: {  	p1 =	sne.s32 s29, $0xF80;
	v36 =	vld.idx.msk [tilespmem:v36+s4+$0x0], $0xffff;
	s30 =	smov.u32 s29;
	s29 =	sadd.s32 $0x80, s29  }
0xc1: {  	v29 =	vadd.bf16 v29, v45;
	v31 =	vld.idx.msk [tilespmem:v31+s4+$0x0], $0xffff  }
0xc2: {  	v41 =	vadd.bf16 v41, v44;
	v32 =	vld.idx.msk [tilespmem:v32+s4+$0x0], $0xffff  }
0xc3: {  	v34 =	vadd.bf16 v34, v43;
	v27 =	vadd.bf16 v27, v29;
	v24 =	vld.idx.msk [tilespmem:v24+s4+$0x0], $0xffff  }
0xc4: {  	v29 =	vadd.bf16 v42, v37;
	v30 =	vadd.bf16 v30, v41;
	v23 =	vld.idx.msk [tilespmem:v23+s4+$0x0], $0xffff  }
0xc5: {  	v34 =	vadd.bf16 v38, v34;
	v27 =	vadd.bf16 v39, v27;
	v33 =	vld.idx.msk [tilespmem:v33+s4+$0x0], $0xffff  }
0xc6: {  	v29 =	vadd.bf16 v35, v29;
	v30 =	vadd.bf16 v36, v30;
	v28 =	vld.idx.msk [tilespmem:v28+s4+$0x0], $0xffff  }
0xc7: {  	v25 =	vadd.bf16 v25, v34;
	v19 =	vadd.bf16 v19, v27;
	v21 =	vld.idx.msk [tilespmem:v21+s4+$0x0], $0xffff  }
0xc8: {  	v18 =	vadd.bf16 v18, v29;
	v27 =	vadd.bf16 v40, v30;
	v20 =	vld.idx.msk [tilespmem:v20+s4+$0x0], $0xffff  }
0xc9: {  	v29 =	vor.u32 s30, v7;
	v24 =	vadd.bf16 v24, v25;
	v19 =	vadd.bf16 v32, v19;
	v22 =	vld.idx.msk [tilespmem:v22+s4+$0x0], $0xffff  }
0xca: {  	v18 =	vadd.bf16 v23, v18;
	v23 =	vadd.bf16 v31, v27;
	v25 =	vld.idx.msk [tilespmem:v26+s4+$0x0], $0xffff  }
0xcb: {  	v24 =	vadd.bf16 v33, v24;
	v26 =	vunpack.i.u.bf16.f32 v19;
	v19 =	vunpack.i.l.bf16.f32 v19  }
0xcc: {  	v30 =	vor.u32 s30, v2;
	v27 =	vor.u32 s30, v0;
	v18 =	vadd.bf16 v28, v18  }
0xcd: {  	v21 =	vadd.bf16 v21, v24;
	v24 =	vunpack.i.u.bf16.f32 v23;
	v23 =	vunpack.i.l.bf16.f32 v23  }
0xce: {  	v18 =	vadd.bf16 v20, v18;
	v20 =	vmul.f32 v23, v11  }
0xcf: {  	v23 =	vor.u32 s30, v3;
	v21 =	vadd.bf16 v22, v21;
	v22 =	vmul.f32 v24, v11  }
0xd0: {  	v19 =	vmul.f32 v19, v11;
	v18 =	vadd.bf16 v25, v18;
	[tilespmem:v14+s20+$0x0] =	vst.idx.msk $0xffff, v20;
	v14 =	vmov v27  }
0xd1: {  	v20 =	vmul.f32 v26, v11;
	[tilespmem:v17+s20+$0x0] =	vst.idx.msk $0xffff, v22;
	v22 =	vunpack.i.u.bf16.f32 v21;
	v21 =	vunpack.i.l.bf16.f32 v21;
	v17 =	vmovc v30  }
0xd2: {  	v24 =	vor.u32 s30, v8;
	[tilespmem:v16+s20+$0x0] =	vst.idx.msk $0xffff, v19;
	v19 =	vmul.f32 v21, v11;
	v21 =	vunpack.i.l.bf16.f32 v18;
	v16 =	vmovc v23  }
0xd3: {  	v23 =	vor.u32 s30, v6;
	[tilespmem:v12+s20+$0x0] =	vst.idx.msk $0xffff, v20;
	v20 =	vmul.f32 v22, v11  }
0xd4: {  	v12 =	vor.u32 s30, v4;
	[tilespmem:v15+s20+$0x0] =	vst.idx.msk $0xffff, v19;
	v15 =	vunpack.i.u.bf16.f32 v18;
	v18 =	vmul.f32 v21, v11  }
0xd5: {  	[tilespmem:v13+s20+$0x0] =	vst.idx.msk $0xffff, v20;
	v19 =	vmul.f32 v15, v11;
	v13 =	vmov v23  }
0xd6: {  	v15 =	vor.u32 s30, v5;
	[tilespmem:v9+s20+$0x0] =	vst.idx.msk $0xffff, v18;
	v9 =	vmov v29  }
0xd7: {  	[tilespmem:v10+s20+$0x0] =	vst.idx.msk $0xffff, v19;
	v10 =	vmov v24;
	_ =	sdelay $0x1  }
0xd8: {  	v18 =	vld.idx.msk [tilespmem:v27+s16+$0x0], $0xffff  }
0xd9: {  	v19 =	vld.idx.msk [tilespmem:v12+s16+$0x0], $0xffff  }
0xda: {  	v26 =	vld.idx.msk [tilespmem:v29+s16+$0x0], $0xffff  }
0xdb: {  	v20 =	vld.idx.msk [tilespmem:v15+s16+$0x0], $0xffff;
	_ =	sdelay $0x3  }
0xdc: {  	v22 =	vadd.s32 $0x800, v18;
	v39 =	vadd.s32 $0x300, v19  }
0xdd: {  	v25 =	vadd.s32 $0x1800, v18;
	v27 =	vadd.s32 $0x1B00, v19;
	v29 =	vadd.s32 $0xE00, v26;
	v30 =	vld.idx.msk [tilespmem:v24+s16+$0x0], $0xffff  }
0xde: {  	v33 =	vadd.s32 $0xB00, v19;
	v34 =	vadd.s32 $0x1300, v19;
	v35 =	vadd.s32 $0x400, v20;
	v28 =	vld.idx.msk [tilespmem:v17+s16+$0x0], $0xffff  }
0xdf: {  	v37 =	vadd.s32 $0xC00, v20;
	v24 =	vadd.s32 $0x1400, v20;
	v23 =	vadd.s32 $0x1C00, v20;
	v38 =	vld.idx.msk [tilespmem:v13+s16+$0x0], $0xffff  }
0xe0: {  	v21 =	vadd.s32 $0x1600, v26;
	v20 =	vadd.s32 $0x1E00, v26;
	v40 =	vld.idx.msk [tilespmem:v16+s16+$0x0], $0xffff  }
0xe1: {  	v41 =	vld.idx.msk [tilespmem:v18+s4+$0x0], $0xffff  }
0xe2: {  	v43 =	vadd.s32 $0x1000, v18;
	v42 =	vld.idx.msk [tilespmem:v22+s4+$0x0], $0xffff  }
0xe3: {  	v31 =	vadd.s32 $0x700, v30;
	v32 =	vadd.s32 $0xF00, v30;
	v22 =	vadd.s32 $0x1700, v30;
	v44 =	vld.idx.msk [tilespmem:v25+s4+$0x0], $0xffff  }
0xe4: {  	v45 =	vadd.s32 $0x100, v28;
	v46 =	vadd.s32 $0x900, v28;
	v47 =	vadd.s32 $0x1900, v28;
	v18 =	vld.idx.msk [tilespmem:v27+s4+$0x0], $0xffff  }
0xe5: {  	v48 =	vadd.s32 $0x1100, v28;
	v36 =	vadd.s32 $0x500, v38;
	v28 =	vadd.s32 $0x1D00, v38;
	v19 =	vld.idx.msk [tilespmem:v29+s4+$0x0], $0xffff  }
0xe6: {  	v49 =	vadd.s32 $0x200, v40;
	v50 =	vadd.s32 $0xA00, v40;
	v51 =	vadd.s32 $0x1200, v40;
	v29 =	vld.idx.msk [tilespmem:v33+s4+$0x0], $0xffff  }
0xe7: {  	v52 =	vadd.s32 $0xD00, v38;
	v40 =	vadd.s32 $0x1A00, v40;
	v33 =	vadd.s32 $0x1500, v38;
	v27 =	vld.idx.msk [tilespmem:v37+s4+$0x0], $0xffff  }
0xe8: {  	v53 =	vadd.s32 $0x600, v26;
	v26 =	vadd.s32 $0x1F00, v30;
	v25 =	vld.idx.msk [tilespmem:v34+s4+$0x0], $0xffff  }
0xe9: {  	v37 =	vadd.bf16 v1, v44;
	v38 =	vld.idx.msk [tilespmem:v46+s4+$0x0], $0xffff  }
0xea: {  	v30 =	vld.idx.msk [tilespmem:v35+s4+$0x0], $0xffff  }
0xeb: {  	v34 =	vld.idx.msk [tilespmem:v48+s4+$0x0], $0xffff  }
0xec: {  	v44 =	vld.idx.msk [tilespmem:v45+s4+$0x0], $0xffff  }
0xed: {  	v35 =	vadd.bf16 v1, v42;
	v45 =	vld.idx.msk [tilespmem:v49+s4+$0x0], $0xffff  }
0xee: {  	v42 =	vld.idx.msk [tilespmem:v43+s4+$0x0], $0xffff  }
0xef: {  	v41 =	vadd.bf16 v1, v41;
	v46 =	vadd.bf16 v38, v35;
	v48 =	vld.idx.msk [tilespmem:v50+s4+$0x0], $0xffff  }
0xf0: {  	v35 =	vld.idx.msk [tilespmem:v40+s4+$0x0], $0xffff  }
.Ltmp3:
0xf1: {  	v38 =	vld.idx.msk [tilespmem:v51+s4+$0x0], $0xffff;
	(pc) =	sbr.rel @p1 .LBB2_5-.Ltmp3, $4  }
0xf2: {  	v40 =	vadd.bf16 v44, v41;
	v41 =	vld.idx.msk [tilespmem:v39+s4+$0x0], $0xffff  }
0xf3: {  	v39 =	vld.idx.msk [tilespmem:v52+s4+$0x0], $0xffff  }
0xf4: {  	v43 =	vadd.bf16 v1, v42;
	v44 =	vadd.bf16 v45, v40;
	v42 =	vld.idx.msk [tilespmem:v47+s4+$0x0], $0xffff  }
0xf5: {  	v45 =	vadd.bf16 v48, v46;
	v40 =	vld.idx.msk [tilespmem:v53+s4+$0x0], $0xffff  }
0xf6: {  	_ =	sdelay $0x3  }
0xf7: {  	v36 =	vld.idx.msk [tilespmem:v36+s4+$0x0], $0xffff  }
0xf8: {  	v31 =	vld.idx.msk [tilespmem:v31+s4+$0x0], $0xffff;
	v34 =	vadd.bf16 v34, v43  }
0xf9: {  	v24 =	vld.idx.msk [tilespmem:v24+s4+$0x0], $0xffff;
	v41 =	vadd.bf16 v41, v44  }
0xfa: {  	v32 =	vld.idx.msk [tilespmem:v32+s4+$0x0], $0xffff;
	v29 =	vadd.bf16 v29, v45;
	v34 =	vadd.bf16 v38, v34  }
0xfb: {  	v48 =	vld.idx.msk [tilespmem:v33+s4+$0x0], $0xffff;
	v37 =	vadd.bf16 v42, v37;
	v30 =	vadd.bf16 v30, v41  }
0xfc: {  	v23 =	vld.idx.msk [tilespmem:v23+s4+$0x0], $0xffff;
	v27 =	vadd.bf16 v27, v29;
	v25 =	vadd.bf16 v25, v34  }
0xfd: {  	v28 =	vld.idx.msk [tilespmem:v28+s4+$0x0], $0xffff;
	v49 =	vadd.bf16 v35, v37;
	v30 =	vadd.bf16 v36, v30  }
0xfe: {  	v21 =	vld.idx.msk [tilespmem:v21+s4+$0x0], $0xffff;
	v27 =	vadd.bf16 v39, v27;
	v24 =	vadd.bf16 v24, v25  }
0xff: {  	v20 =	vld.idx.msk [tilespmem:v20+s4+$0x0], $0xffff;
	v18 =	vadd.bf16 v18, v49;
	v30 =	vadd.bf16 v40, v30  }
0x100: {  	v22 =	vld.idx.msk [tilespmem:v22+s4+$0x0], $0xffff;
	v19 =	vadd.bf16 v19, v27;
	v24 =	vadd.bf16 v48, v24  }
0x101: {  	v18 =	vadd.bf16 v23, v18;
	v50 =	vadd.bf16 v31, v30  }
0x102: {  	v51 =	vld.idx.msk [tilespmem:v26+s4+$0x0], $0xffff;
	v19 =	vadd.bf16 v32, v19  }
0x103: {  	v21 =	vadd.bf16 v21, v24;
	v18 =	vadd.bf16 v28, v18;
	v52 =	vunpack.i.l.bf16.f32 v50  }
0x104: {  	v53 =	vunpack.i.l.bf16.f32 v19;
	v23 =	vunpack.i.u.bf16.f32 v50;
	v24 =	vmul.f32 v52, v11  }
0x105: {  	v54 =	vadd.bf16 v22, v21;
	v55 =	vmul.f32 v23, v11;
	v18 =	vadd.bf16 v20, v18  }
0x106: {  	v19 =	vunpack.i.u.bf16.f32 v19;
	v56 =	vmul.f32 v53, v11;
	[tilespmem:v14+s20+$0x0] =	vst.idx.msk $0xffff, v24  }
0x107: {  	v57 =	vmul.f32 v19, v11;
	v58 =	vunpack.i.l.bf16.f32 v54;
	v18 =	vadd.bf16 v51, v18;
	[tilespmem:v17+s20+$0x0] =	vst.idx.msk $0xffff, v55  }
0x108: {  	v20 =	vunpack.i.u.bf16.f32 v54;
	v59 =	vmul.f32 v58, v11;
	[tilespmem:v16+s20+$0x0] =	vst.idx.msk $0xffff, v56  }
0x109: {  	v61 =	vmul.f32 v20, v11;
	v60 =	vunpack.i.l.bf16.f32 v18;
	[tilespmem:v12+s20+$0x0] =	vst.idx.msk $0xffff, v57  }
.Ltmp4:
0x10a: {  	s0 =	sshll.u32 s26, $0x4;
	v62 =	vunpack.i.u.bf16.f32 v18;
	[tilespmem:v15+s20+$0x0] =	vst.idx.msk $0xffff, v59;
	v63 =	vmul.f32 v60, v11;
	(pc) =	sbr.rel @p0 .LBB2_8-.Ltmp4, $4  }
0x10b: {  	s0 =	sand.u32 $0x70, s0;
	v11 =	vmul.f32 v62, v11;
	[tilespmem:v13+s20+$0x0] =	vst.idx.msk $0xffff, v61  }
0x10c: {  	s0 =	sadd.s32 s2, s0;
	[tilespmem:v9+s20+$0x0] =	vst.idx.msk $0xffff, v63  }
0x10d: {  	s0 =	sadd.s32 s28, s0;
	[tilespmem:v10+s20+$0x0] =	vst.idx.msk $0xffff, v11  }
0x10e: {  	[hbm4b:s0+s13] =	stream.strided.scatter [tilespmem:s20], [sflag:$0x4], $0x1000, s14, s13, $0x38;
	[tilespmem:$0x6080] =	vst v63  }
0x10f: {  	s0 =	sadd.s32 $0x3, s25  }
.Ltmp5:
0x110: {  	s25 =	sadd.s32 s6, s0;
	s0 =	sshll.u32 s0, $0x4;
	(pc) =	sbr.rel .LBB2_2-.Ltmp5, $4  }
0x111: {  	s25 =	sshll.u32 s25, $0x9;
	s0 =	sand.u32 $0x70, s0  }
0x112: {  	s25 =	sand.u32 $0x3FF000, s25;
	s0 =	sadd.s32 s5, s0  }
0x113: {  	s24 =	sadd.s32 $0x1, s24;
	s0 =	sadd.s32 s25, s0  }
0x114: {  	[tilespmem:s16], [sflag:$0x2] =	stream.strided.gather [hbm4b:s0+s13], $0x1000, s14, s13, $0x38;
	[tilespmem:$0x6080] =	vst v63  }
.LBB2_9:
0x115: {  	_ =	sfence.sel $0x180000  }
0x116: {  	[bflag:$0x0] =	sbarrier.arrive $0xFFFF  }
0x117: {  	_ =	strace $0x90000047  }
0x118: {  	[bflag:$0x2] =	sbarrier.arrive $0xFFFF  }
0x119: {  	p0 =	sne.s32 s3, $0x0;
	s0 =	rddreg [dreg:$0x3]  }
0x11a: {  	s0 =	sadd.s32 @!p0 $0x100000, s0  }
0x11b: {  	[sflag:s0] =	ssyncadd.tile.s32 @!p0 $0x1;
	_ =	shalt  }
.Lfunc_end2:
_tile_overlayer_lowered:
.L_overlay_start_2:
0x11c: {  	(tag) =	ssettag $0x2  }
0x11d: {  	s0 =	rddreg [dreg:$0x0];
	s2 =	stileid.u32  }
0x11e: {  	s1 =	rddreg [dreg:$0x1];
	p0 =	sne.s32 s2, $0x0  }
0x11f: {  	s3 =	rddreg [dreg:$0x2];
	[bflag:$0x3] =	sbarrier.arrive $0xFFFF;
	s2 =	simm.s32 @!p0 $0x1C05  }
0x120: {  	[timem:s3], [sflag:s2] =	dma.local @!p0 [hbm:s0], s1  }
0x121: {  	s0 =	simm.s32 @!p0 $0x5  }
0x122: {  	_ =	swait.ge @!p0 [sflag:s0], s1  }
0x123: {  	s1 =	ssub.s32 @!p0 $0x0, s1;
	[sflag:s0] =	ssyncset.done @!p0 $0x0  }
0x124: {  	[sflag:s0] =	ssyncadd.s32 @!p0 s1  }
0x125: {  	[bflag:$0x3] =	sbarrier.arrive $0xFFFF  }
0x126: {  	_ =	shalt  }

</sc_bundles>
